<compile_context>
chip_gen: v7x
topology: tpu7x:2x2x1
jax: 0.10.2.dev20260603
libtpu: 0.0.44.dev20260713+nightly
codegen_flags: <defaults>
</compile_context>

<pallas_src>
import numpy as np
import jax
import jax.numpy as jnp
from jax import lax
from jax.experimental import pallas as pl
from jax.experimental.pallas import tpu as pltpu
from jax.experimental.pallas import tpu_sc as plsc

_BASE = np.array([
    [-0.04419417, -0.08838835, 0.04419417, 0.08838835],
    [-0.0625, -0.0625, 0.0625, 0.0625],
    [-0.08838835, -0.04419417, 0.08838835, 0.04419417],
    [-0.08838835, -0.1767767, 0.08838835, 0.1767767],
    [-0.125, -0.125, 0.125, 0.125],
    [-0.1767767, -0.08838835, 0.1767767, 0.08838835],
    [-0.1767767, -0.35355339, 0.1767767, 0.35355339],
    [-0.25, -0.25, 0.25, 0.25],
    [-0.35355339, -0.1767767, 0.35355339, 0.1767767],
], dtype=np.float32)

_N = 20736
_NB = 1024
_PRE = 6000
_POST = 300
_CAND = 1024
_ACC = 320
_BIGI = np.int32(2 ** 30)
_THR = np.float32(0.7)


def _anchor_terms(fm_h, fm_w):
    gy = (np.arange(fm_h, dtype=np.float32) + np.float32(0.5)) / np.float32(fm_h)
    gx = (np.arange(fm_w, dtype=np.float32) + np.float32(0.5)) / np.float32(fm_w)
    gyy, gxx = np.meshgrid(gy, gx, indexing='ij')
    centers = np.stack([gyy, gxx, gyy, gxx], axis=-1).reshape(-1, 1, 4).astype(np.float32)
    anchors = (centers + _BASE[None, :, :]).reshape(-1, 4)
    anchors = np.clip(anchors, np.float32(0.0), np.float32(1.0)).astype(np.float32)
    anc_h = anchors[:, 2] - anchors[:, 0]
    anc_w = anchors[:, 3] - anchors[:, 1]
    anc_cy = anchors[:, 0] + np.float32(0.5) * anc_h
    anc_cx = anchors[:, 1] + np.float32(0.5) * anc_w
    return np.stack([anc_h, anc_w, anc_cy, anc_cx], axis=1)


def _sc_body(sco_hbm, ptab_hbm, out_hbm,
             sco, hist, cur, bbv, cnb, skey, sidx,
             idxd, prows,
             bby1, bbx1, bby2, bbx2, bar,
             ay1, ax1, ay2, ax2, aar, outs, sem):
    cid = lax.axis_index('c')
    sid = lax.axis_index('s')
    wid = cid * 2 + sid

    @pl.when(sid < 2)
    def _main():
        i16 = lax.broadcasted_iota(jnp.int32, (16,), 0)
        lane0 = (i16 == 0)

        def ld1(ref, idx):
            v = plsc.load_gather(ref, [jnp.full((16,), idx, jnp.int32)])
            return v[0]

        def st1(ref, idx, val):
            plsc.store_scatter(ref, [jnp.full((16,), idx, jnp.int32)],
                               jnp.full((16,), val), mask=lane0)
        zf = jnp.zeros((16,), jnp.float32)
        zi = jnp.zeros((16,), jnp.int32)
        oi = jnp.ones((16,), jnp.int32)
        c0 = jnp.full((16,), 0, jnp.int32)
        c1 = jnp.full((16,), 1, jnp.int32)
        c2 = jnp.full((16,), 2, jnp.int32)
        c3 = jnp.full((16,), 3, jnp.int32)
        c4 = jnp.full((16,), 4, jnp.int32)
        c5 = jnp.full((16,), 5, jnp.int32)
        c6 = jnp.full((16,), 6, jnp.int32)
        c7 = jnp.full((16,), 7, jnp.int32)

        pltpu.sync_copy(sco_hbm.at[wid], sco)

        def zero_hist(i, carry):
            plsc.store_scatter(hist, [i * 16 + i16], zi)
            return carry
        lax.fori_loop(0, _NB, zero_hist, 0)

        def zero_out(i, carry):
            plsc.store_scatter(outs, [i * 16 + i16], zf)
            return carry
        lax.fori_loop(0, (_POST * 4) // 16, zero_out, 0)

        def zero_idx(i, carry):
            plsc.store_scatter(idxd, [i * 16 + i16], zi)
            return carry
        lax.fori_loop(0, _CAND // 16, zero_idx, 0)

        def zero_acc(i, carry):
            a = i * 16 + i16
            plsc.store_scatter(ay1, [a], zf)
            plsc.store_scatter(ax1, [a], zf)
            plsc.store_scatter(ay2, [a], zf)
            plsc.store_scatter(ax2, [a], zf)
            plsc.store_scatter(aar, [a], zf)
            return carry
        lax.fori_loop(0, _ACC // 16, zero_acc, 0)

        def hist_body(i, carry):
            for u in range(2):
                v = plsc.load_gather(sco, [(i * 2 + u) * 16 + i16])
                b = jnp.minimum((v * np.float32(_NB)).astype(jnp.int32),
                                _NB - 1)
                plsc.addupdate_scatter(hist, [b * 16 + i16], oi)
            return carry
        lax.fori_loop(0, _N // 32, hist_body, 0)

        def pre_body(i, carry):
            for u in range(2):
                b = _NB - 1 - (i * 2 + u)
                v = plsc.load_gather(hist, [b * 16 + i16])
                s = plsc.cumsum(v)
                tot = jnp.sum(v)
                plsc.store_scatter(cur, [b * 16 + i16], (s - v) + carry)
                st1(bbv, b, carry)
                st1(cnb, b, tot)
                carry = carry + tot
            return carry
        lax.fori_loop(0, _NB // 2, pre_body, jnp.int32(0))

        def perm_body(i, carry):
            for u in range(2):
                g = (i * 2 + u) * 16 + i16
                v = plsc.load_gather(sco, [g])
                b = jnp.minimum((v * np.float32(_NB)).astype(jnp.int32),
                                _NB - 1)
                addr = b * 16 + i16
                pos = plsc.load_gather(cur, [addr])
                plsc.store_scatter(cur, [addr], pos + 1)
                plsc.store_scatter(skey, [pos], v)
                plsc.store_scatter(sidx, [pos], g)
            return carry
        lax.fori_loop(0, _N // 32, perm_body, 0)

        def fetch_chunk(base, nb, ch):
            cb = ch * _CAND
            cn = jnp.minimum(nb - cb, _CAND)

            nvc = (cn + 15) >> 4
            nblk = (cn + 127) >> 7

            def fi(t, carry):
                pos16 = t * 16 + i16
                valid = pos16 < cn
                a = jnp.minimum(base + cb + pos16, _N - 1)
                sv = plsc.load_gather(sidx, [a])
                sv = jnp.where(valid, sv, pos16)
                plsc.store_scatter(idxd, [pos16], sv + wid * _N)
                return carry
            lax.fori_loop(0, nblk * 8, fi, 0)

            for j in range(_CAND // 128):
                @pl.when(j < nblk)
                def _():
                    sl = pl.ds(j * 128, 128)
                    pltpu.async_copy(
                        ptab_hbm.at[idxd.at[sl]], prows.at[sl, :], sem)
            for j in range(_CAND // 128):
                @pl.when(j < nblk)
                def _():
                    sl = pl.ds(j * 128, 128)
                    pltpu.make_async_copy(
                        ptab_hbm.at[idxd.at[sl]], prows.at[sl, :], sem).wait()

            def dec(t, carry):
                r = t * 16 + i16
                dy = plsc.load_gather(prows, [r, c0])
                dx = plsc.load_gather(prows, [r, c1])
                dh = plsc.load_gather(prows, [r, c2])
                dw = plsc.load_gather(prows, [r, c3])
                ah = plsc.load_gather(prows, [r, c4])
                aw = plsc.load_gather(prows, [r, c5])
                acy = plsc.load_gather(prows, [r, c6])
                acx = plsc.load_gather(prows, [r, c7])
                bh = jnp.exp(dh * np.float32(0.2)) * ah
                bw = jnp.exp(dw * np.float32(0.2)) * aw
                cy = dy * np.float32(0.1) * ah + acy
                cx = dx * np.float32(0.1) * aw + acx
                y1 = cy - np.float32(0.5) * bh
                x1 = cx - np.float32(0.5) * bw
                y2 = y1 + bh
                x2 = x1 + bw
                plsc.store_scatter(bby1, [r], y1)
                plsc.store_scatter(bbx1, [r], x1)
                plsc.store_scatter(bby2, [r], y2)
                plsc.store_scatter(bbx2, [r], x2)
                area = jnp.maximum(y2 - y1, 0.0) * jnp.maximum(x2 - x1, 0.0)
                plsc.store_scatter(bar, [r], area)
                return carry
            lax.fori_loop(0, nvc, dec, 0)

        def process_bucket(base, nb, allow, sel_in):
            nvb = (nb + 15) >> 4

            def icond(st):
                k, sel, staged = st
                return jnp.logical_and(k < allow, sel < _POST)

            def ibody(st):
                k, sel, staged = st

                def l12(j, st2):
                    m, pk = st2
                    pos16 = j * 16 + i16
                    valid = pos16 < nb
                    a = jnp.minimum(base + pos16, _N - 1)
                    v = plsc.load_gather(skey, [a])
                    v = jnp.where(valid, v, np.float32(-1.0))
                    vm = jnp.max(v)
                    idxs = plsc.load_gather(sidx, [a])
                    pk16 = jnp.where(v == vm, (idxs << 15) | pos16, _BIGI)
                    pkj = jnp.min(pk16)
                    better = jnp.logical_or(
                        vm > m, jnp.logical_and(vm == m, pkj < pk))
                    return (jnp.maximum(m, vm), jnp.where(better, pkj, pk))
                m, pk = lax.fori_loop(
                    0, nvb, l12, (jnp.float32(-1.0), _BIGI))
                p = pk & 32767

                st1(skey, base + p, jnp.float32(-1.0))

                ch = p >> 10

                @pl.when(ch != staged)
                def _():
                    fetch_chunk(base, nb, ch)

                q = p & (_CAND - 1)
                cy1 = ld1(bby1, q)
                cx1 = ld1(bbx1, q)
                cy2 = ld1(bby2, q)
                cx2 = ld1(bbx2, q)
                ca = ld1(bar, q)

                nt = (sel + 15) >> 4
                cy1v = jnp.full((16,), cy1)
                cx1v = jnp.full((16,), cx1)
                cy2v = jnp.full((16,), cy2)
                cx2v = jnp.full((16,), cx2)
                cav = jnp.full((16,), ca)

                def l3(t, supv):
                    for u in range(2):
                        r0 = (t * 2 + u) * 16
                        oy1 = ay1[pl.ds(r0, 16)]
                        ox1 = ax1[pl.ds(r0, 16)]
                        oy2 = ay2[pl.ds(r0, 16)]
                        ox2 = ax2[pl.ds(r0, 16)]
                        oa = aar[pl.ds(r0, 16)]
                        yy1 = jnp.maximum(oy1, cy1v)
                        xx1 = jnp.maximum(ox1, cx1v)
                        yy2 = jnp.minimum(oy2, cy2v)
                        xx2 = jnp.minimum(ox2, cx2v)
                        inter = (jnp.maximum(yy2 - yy1, 0.0)
                                 * jnp.maximum(xx2 - xx1, 0.0))
                        iou = inter / jnp.maximum(cav + oa - inter,
                                                  np.float32(1e-8))
                        supv = jnp.maximum(supv,
                                           (iou > _THR).astype(jnp.int32))
                    return supv
                supv = lax.fori_loop(0, (sel + 31) >> 5, l3, zi)
                sup = jnp.max(supv)

                @pl.when(sup == 0)
                def _():
                    st1(ay1, sel, cy1)
                    st1(ax1, sel, cx1)
                    st1(ay2, sel, cy2)
                    st1(ax2, sel, cx2)
                    st1(aar, sel, ca)
                    vf = jnp.where(m > 0.0, np.float32(1.0), np.float32(0.0))
                    coords = jnp.where(
                        i16 == 0, cy1, jnp.where(
                            i16 == 1, cx1, jnp.where(
                                i16 == 2, cy2, cx2))) * vf
                    plsc.store_scatter(outs, [sel * 4 + jnp.minimum(i16, 3)],
                                       coords, mask=(i16 < 4))

                sel = sel + jnp.where(sup == 0, jnp.int32(1), jnp.int32(0))
                return (k + 1, sel, staged)

            _, sel_out, _ = lax.while_loop(
                icond, ibody, (jnp.int32(0), sel_in, jnp.int32(-1)))
            return sel_out

        def outer_cond(st):
            b, sel, stop = st
            return jnp.logical_and(
                jnp.logical_and(stop == 0, b >= 0), sel < _POST)

        def outer_body(st):
            b, sel, stop = st
            base = ld1(bbv, b)
            nb = ld1(cnb, b)
            allow = jnp.minimum(nb, _PRE - base)
            stop = jnp.where(base >= _PRE, jnp.int32(1), stop)
            run = jnp.logical_and(stop == 0, allow > 0)
            sel = lax.cond(run,
                           lambda: process_bucket(base, nb, allow, sel),
                           lambda: sel)
            return (b - 1, sel, stop)

        lax.while_loop(outer_cond, outer_body,
                       (jnp.int32(_NB - 1), jnp.int32(0), jnp.int32(0)))

        pltpu.sync_copy(outs, out_hbm.at[wid])


def kernel(rpn_bbox_deltas, rpn_labels):
    b = rpn_bbox_deltas.shape[0]
    fm_h, fm_w = rpn_labels.shape[1], rpn_labels.shape[2]
    n = fm_h * fm_w * 9
    deltas_flat = rpn_bbox_deltas.reshape(b * n, 4)
    scores = rpn_labels.reshape(b, n)
    anc = jnp.asarray(np.tile(_anchor_terms(fm_h, fm_w), (b, 1)))
    ptab = jnp.concatenate(
        [deltas_flat, anc, jnp.zeros((b * n, 8), jnp.float32)], axis=1)

    f32 = jnp.float32
    i32 = jnp.int32
    mesh = plsc.VectorSubcoreMesh(core_axis_name="c", subcore_axis_name="s")
    run = pl.kernel(
        _sc_body,
        out_type=jax.ShapeDtypeStruct((b, _POST * 4), f32),
        mesh=mesh,
        scratch_types=[
            pltpu.VMEM((_N,), f32),
            pltpu.VMEM((_NB * 16,), i32),
            pltpu.VMEM((_NB * 16,), i32),
            pltpu.VMEM((_NB,), i32),
            pltpu.VMEM((_NB,), i32),
            pltpu.VMEM((_N,), f32),
            pltpu.VMEM((_N,), i32),
            pltpu.VMEM((_CAND,), i32),
            pltpu.VMEM((_CAND, 16), f32),
            pltpu.VMEM((_CAND,), f32),
            pltpu.VMEM((_CAND,), f32),
            pltpu.VMEM((_CAND,), f32),
            pltpu.VMEM((_CAND,), f32),
            pltpu.VMEM((_CAND,), f32),
            pltpu.VMEM((_ACC,), f32),
            pltpu.VMEM((_ACC,), f32),
            pltpu.VMEM((_ACC,), f32),
            pltpu.VMEM((_ACC,), f32),
            pltpu.VMEM((_ACC,), f32),
            pltpu.VMEM((_POST * 4,), f32),
            pltpu.SemaphoreType.DMA,
        ],
        compiler_params=pltpu.CompilerParams(
            needs_layout_passes=False, use_tc_tiling_on_sc=False),
    )
    out = run(scores, ptab)
    out = out.reshape(b, _POST, 4)
    return lax.stop_gradient(out)

# --- scband reference (transcript-rebuilt; emitter-appended) ---
"""Pipeline reference for scband-proposal-layer-6511170421104 (READ-ONLY COPY).

The authoritative reference and input builder live on the scoring server;
editing this copy changes nothing except your own understanding.
"""

import jax, jax.numpy as jnp
import numpy as np

BASE_ANCHORS = np.array([
    [-0.04419417, -0.08838835, 0.04419417, 0.08838835],
    [-0.0625, -0.0625, 0.0625, 0.0625],
    [-0.08838835, -0.04419417, 0.08838835, 0.04419417],
    [-0.08838835, -0.1767767, 0.08838835, 0.1767767],
    [-0.125, -0.125, 0.125, 0.125],
    [-0.1767767, -0.08838835, 0.1767767, 0.08838835],
    [-0.1767767, -0.35355339, 0.1767767, 0.35355339],
    [-0.25, -0.25, 0.25, 0.25],
    [-0.35355339, -0.1767767, 0.35355339, 0.1767767],
], dtype=np.float32)
PRE_NMS_TOPN = 6000
POST_NMS_TOPN = 300
NMS_IOU_THRESHOLD = 0.7
VARIANCES = np.array([0.1, 0.1, 0.2, 0.2], dtype=np.float32)


def generate_anchors(fm_h, fm_w, base_anchors):
    grid_y = (jnp.arange(fm_h, dtype=jnp.float32) + 0.5) / fm_h
    grid_x = (jnp.arange(fm_w, dtype=jnp.float32) + 0.5) / fm_w
    gy, gx = jnp.meshgrid(grid_y, grid_x, indexing='ij')
    centers = jnp.stack([gy, gx, gy, gx], axis=-1).reshape(-1, 1, 4)
    anchors = centers + base_anchors[None, :, :]
    anchors = anchors.reshape(-1, 4)
    return jnp.clip(anchors, 0.0, 1.0)


def get_bboxes_from_deltas(anchors, deltas):
    anc_h = anchors[..., 2] - anchors[..., 0]
    anc_w = anchors[..., 3] - anchors[..., 1]
    anc_cy = anchors[..., 0] + 0.5 * anc_h
    anc_cx = anchors[..., 1] + 0.5 * anc_w
    bb_h = jnp.exp(deltas[..., 2]) * anc_h
    bb_w = jnp.exp(deltas[..., 3]) * anc_w
    bb_cy = deltas[..., 0] * anc_h + anc_cy
    bb_cx = deltas[..., 1] * anc_w + anc_cx
    y1 = bb_cy - 0.5 * bb_h
    x1 = bb_cx - 0.5 * bb_w
    return jnp.stack([y1, x1, y1 + bb_h, x1 + bb_w], axis=-1)


def nms_single(boxes, scores):
    # boxes: [N, 4] (y1,x1,y2,x2), scores: [N]; greedy NMS, zero-padded output
    areas = jnp.maximum(boxes[:, 2] - boxes[:, 0], 0.0) * jnp.maximum(boxes[:, 3] - boxes[:, 1], 0.0)

    def body(i, state):
        ws, out = state
        idx = jnp.argmax(ws)
        best_score = ws[idx]
        best = boxes[idx]
        valid = (best_score > 0.0).astype(boxes.dtype)
        out = out.at[i].set(best * valid)
        yy1 = jnp.maximum(best[0], boxes[:, 0])
        xx1 = jnp.maximum(best[1], boxes[:, 1])
        yy2 = jnp.minimum(best[2], boxes[:, 2])
        xx2 = jnp.minimum(best[3], boxes[:, 3])
        inter = jnp.maximum(yy2 - yy1, 0.0) * jnp.maximum(xx2 - xx1, 0.0)
        barea = jnp.maximum(best[2] - best[0], 0.0) * jnp.maximum(best[3] - best[1], 0.0)
        iou = inter / jnp.maximum(areas + barea - inter, 1e-8)
        ws = jnp.where(iou > NMS_IOU_THRESHOLD, -1.0, ws)
        ws = ws.at[idx].set(-1.0)
        return ws, out

    out = jnp.zeros((POST_NMS_TOPN, 4), boxes.dtype)
    _, out = jax.lax.fori_loop(0, POST_NMS_TOPN, body, (scores, out))
    return out


def setup_inputs(seed: int = 0) -> dict:
    key = jax.random.key(seed)
    k1, k2 = jax.random.split(key)
    rpn_bbox_deltas = jax.random.normal(k1, (4, 48, 48, 36), dtype=jnp.float32)
    rpn_labels = jax.random.uniform(k2, (4, 48, 48, 9), dtype=jnp.float32)
    return {'rpn_bbox_deltas': rpn_bbox_deltas, 'rpn_labels': rpn_labels}


def reference(rpn_bbox_deltas, rpn_labels):
    batch = rpn_bbox_deltas.shape[0]
    fm_h, fm_w = rpn_labels.shape[1], rpn_labels.shape[2]
    anchors = generate_anchors(fm_h, fm_w, jnp.asarray(BASE_ANCHORS))
    total_anchors = anchors.shape[0]
    deltas = rpn_bbox_deltas.reshape(batch, total_anchors, 4) * jnp.asarray(VARIANCES)
    labels = rpn_labels.reshape(batch, total_anchors)
    rpn_bboxes = get_bboxes_from_deltas(anchors[None, :, :], deltas)
    pre_scores, pre_idx = jax.lax.top_k(labels, PRE_NMS_TOPN)
    pre_boxes = jnp.take_along_axis(rpn_bboxes, pre_idx[:, :, None], axis=1)
    roi_bboxes = jax.vmap(nms_single)(pre_boxes, pre_scores)
    return jax.lax.stop_gradient(roi_bboxes)

if __name__ == "__main__":
    import jax
    _d = setup_inputs()
    print(jax.jit(kernel)(*tuple(_d.values())))

</pallas_src>

<mosaic_0001>
#map = affine_map<(d0, d1) -> (0, 0)>
module attributes {stable_mosaic.version = 14 : i64} {
  func.func @_sc_body(%arg0: i32, %arg1: i32, %arg2: memref<4x20736xf32, #tpu.memory_space<hbm>>, %arg3: memref<82944x16xf32, #tpu.memory_space<hbm>>, %arg4: memref<4x1200xf32, #tpu.memory_space<hbm>>, %arg5: memref<20736xf32, #tpu.memory_space<vmem>>, %arg6: memref<16384xi32, #tpu.memory_space<vmem>>, %arg7: memref<16384xi32, #tpu.memory_space<vmem>>, %arg8: memref<1024xi32, #tpu.memory_space<vmem>>, %arg9: memref<1024xi32, #tpu.memory_space<vmem>>, %arg10: memref<20736xf32, #tpu.memory_space<vmem>>, %arg11: memref<20736xi32, #tpu.memory_space<vmem>>, %arg12: memref<1024xi32, #tpu.memory_space<vmem>>, %arg13: memref<1024x16xf32, #tpu.memory_space<vmem>>, %arg14: memref<1024xf32, #tpu.memory_space<vmem>>, %arg15: memref<1024xf32, #tpu.memory_space<vmem>>, %arg16: memref<1024xf32, #tpu.memory_space<vmem>>, %arg17: memref<1024xf32, #tpu.memory_space<vmem>>, %arg18: memref<1024xf32, #tpu.memory_space<vmem>>, %arg19: memref<320xf32, #tpu.memory_space<vmem>>, %arg20: memref<320xf32, #tpu.memory_space<vmem>>, %arg21: memref<320xf32, #tpu.memory_space<vmem>>, %arg22: memref<320xf32, #tpu.memory_space<vmem>>, %arg23: memref<320xf32, #tpu.memory_space<vmem>>, %arg24: memref<1200xf32, #tpu.memory_space<vmem>>, %arg25: memref<!tpu.dma_semaphore, #tpu.memory_space<semaphore_mem>>) attributes {dimension_semantics = [#tpu.dimension_semantics<core_parallel>, #tpu.dimension_semantics<subcore_parallel>], iteration_bounds = array<i64: 2, 16>, scalar_prefetch = 0 : i64, scratch_operands = 21 : i64, tpu.core_type = #tpu.core_type<sc_vector_subcore>, window_params = [{transform_indices = #map}, {transform_indices = #map}, {transform_indices = #map}]} {
    %mul3A = arith.constant 2 : i32
    %mul3A_0 = arith.muli %arg0, %mul3A : i32
    %add3A = arith.addi %mul3A_0, %arg1 : i32
    %lt3A = arith.constant 2 : i32
    %lt3A_1 = arith.cmpi slt, %arg1, %lt3A : i32
    %convert_element_type3A = arith.extui %lt3A_1 : i1 to i32
    %cond3A = arith.constant 0 : i32
    %cond3A_2 = arith.cmpi ne, %convert_element_type3A, %cond3A : i32
    scf.if %cond3A_2 {
      %iota3A = tpu.iota {dimensions = array<i32: 0>} : vector<16xi32>
      %eq3A = arith.constant 0 : i32
      %eq3A_3 = vector.broadcast %eq3A : i32 to vector<16xi32>
      %eq3A_4 = arith.cmpi eq, %iota3A, %eq3A_3 : vector<16xi32>
      %broadcast_in_dim3A = arith.constant 0.000000e+00 : f32
      %broadcast_in_dim3A_5 = vector.broadcast %broadcast_in_dim3A : f32 to vector<16xf32>
      %broadcast_in_dim3A_6 = arith.constant 0 : i32
      %broadcast_in_dim3A_7 = vector.broadcast %broadcast_in_dim3A_6 : i32 to vector<16xi32>
      %broadcast_in_dim3A_8 = arith.constant 1 : i32
      %broadcast_in_dim3A_9 = vector.broadcast %broadcast_in_dim3A_8 : i32 to vector<16xi32>
      %broadcast_in_dim3A_10 = arith.constant 0 : i32
      %broadcast_in_dim3A_11 = vector.broadcast %broadcast_in_dim3A_10 : i32 to vector<16xi32>
      %broadcast_in_dim3A_12 = arith.constant 1 : i32
      %broadcast_in_dim3A_13 = vector.broadcast %broadcast_in_dim3A_12 : i32 to vector<16xi32>
      %broadcast_in_dim3A_14 = arith.constant 2 : i32
      %broadcast_in_dim3A_15 = vector.broadcast %broadcast_in_dim3A_14 : i32 to vector<16xi32>
      %broadcast_in_dim3A_16 = arith.constant 3 : i32
      %broadcast_in_dim3A_17 = vector.broadcast %broadcast_in_dim3A_16 : i32 to vector<16xi32>
      %broadcast_in_dim3A_18 = arith.constant 4 : i32
      %broadcast_in_dim3A_19 = vector.broadcast %broadcast_in_dim3A_18 : i32 to vector<16xi32>
      %broadcast_in_dim3A_20 = arith.constant 5 : i32
      %broadcast_in_dim3A_21 = vector.broadcast %broadcast_in_dim3A_20 : i32 to vector<16xi32>
      %broadcast_in_dim3A_22 = arith.constant 6 : i32
      %broadcast_in_dim3A_23 = vector.broadcast %broadcast_in_dim3A_22 : i32 to vector<16xi32>
      %broadcast_in_dim3A_24 = arith.constant 7 : i32
      %broadcast_in_dim3A_25 = vector.broadcast %broadcast_in_dim3A_24 : i32 to vector<16xi32>
      "tpu.region"() ({
        %run_scoped3A = tpu.sem_alloc : memref<!tpu.dma_semaphore, #tpu.memory_space<semaphore_mem>>
        %dma_start3A = arith.constant 0 : i32
        %dma_start3A_71 = tpu.memref_slice %arg2[%add3A, %dma_start3A] : memref<4x20736xf32, #tpu.memory_space<hbm>> -> memref<1x20736xf32, #tpu.memory_space<hbm>>
        %dma_start3A_72 = tpu.memref_squeeze %dma_start3A_71 : memref<1x20736xf32, #tpu.memory_space<hbm>> -> memref<20736xf32, #tpu.memory_space<hbm>>
        %dma_start3A_73 = arith.constant 0 : i32
        %dma_start3A_74 = tpu.memref_slice %arg2[%add3A, %dma_start3A_73] : memref<4x20736xf32, #tpu.memory_space<hbm>> -> memref<1x20736xf32, #tpu.memory_space<hbm>>
        %dma_start3A_75 = tpu.memref_squeeze %dma_start3A_74 : memref<1x20736xf32, #tpu.memory_space<hbm>> -> memref<20736xf32, #tpu.memory_space<hbm>>
        tpu.enqueue_dma source(%dma_start3A_75 : memref<20736xf32, #tpu.memory_space<hbm>>) target(%arg5 : memref<20736xf32, #tpu.memory_space<vmem>>) target_semaphore(%run_scoped3A : memref<!tpu.dma_semaphore, #tpu.memory_space<semaphore_mem>>)
        %dma_wait3A = arith.constant 0 : i32
        %dma_wait3A_76 = tpu.memref_slice %arg2[%add3A, %dma_wait3A] : memref<4x20736xf32, #tpu.memory_space<hbm>> -> memref<1x20736xf32, #tpu.memory_space<hbm>>
        %dma_wait3A_77 = tpu.memref_squeeze %dma_wait3A_76 : memref<1x20736xf32, #tpu.memory_space<hbm>> -> memref<20736xf32, #tpu.memory_space<hbm>>
        %dma_wait3A_78 = arith.constant 0 : i32
        %dma_wait3A_79 = tpu.memref_slice %arg2[%add3A, %dma_wait3A_78] : memref<4x20736xf32, #tpu.memory_space<hbm>> -> memref<1x20736xf32, #tpu.memory_space<hbm>>
        %dma_wait3A_80 = tpu.memref_squeeze %dma_wait3A_79 : memref<1x20736xf32, #tpu.memory_space<hbm>> -> memref<20736xf32, #tpu.memory_space<hbm>>
        tpu.wait_dma2 semaphore(%run_scoped3A : memref<!tpu.dma_semaphore, #tpu.memory_space<semaphore_mem>>) src(%dma_wait3A_80 : memref<20736xf32, #tpu.memory_space<hbm>>) dst(%arg5 : memref<20736xf32, #tpu.memory_space<vmem>>)
        tpu.yield
      }) : () -> ()
      %scan3A = arith.constant 0 : i32
      %scan3A_26 = arith.constant 0 : i32
      %scan3A_27 = arith.constant 1024 : i32
      %scan3A_28 = arith.addi %scan3A_26, %scan3A_27 : i32
      %scan3A_29 = arith.constant 1 : i32
      scf.for %scan3A_71 = %scan3A_26 to %scan3A_28 step %scan3A_29  : i32 {
        %mul3A_72 = arith.constant 16 : i32
        %mul3A_73 = arith.muli %scan3A_71, %mul3A_72 : i32
        %add3A_74 = vector.broadcast %mul3A_73 : i32 to vector<16xi32>
        %add3A_75 = arith.addi %add3A_74, %iota3A : vector<16xi32>
        tpu.vector_store_idx %arg6[%add3A_75], %broadcast_in_dim3A_7 : memref<16384xi32, #tpu.memory_space<vmem>>[vector<16xi32>], vector<16xi32>,
      }
      %scan3A_30 = arith.constant 1024 : i32
      %scan3A_31 = arith.constant 0 : i32
      %scan3A_32 = arith.constant 0 : i32
      %scan3A_33 = arith.constant 75 : i32
      %scan3A_34 = arith.addi %scan3A_32, %scan3A_33 : i32
      %scan3A_35 = arith.constant 1 : i32
      scf.for %scan3A_71 = %scan3A_32 to %scan3A_34 step %scan3A_35  : i32 {
        %mul3A_72 = arith.constant 16 : i32
        %mul3A_73 = arith.muli %scan3A_71, %mul3A_72 : i32
        %add3A_74 = vector.broadcast %mul3A_73 : i32 to vector<16xi32>
        %add3A_75 = arith.addi %add3A_74, %iota3A : vector<16xi32>
        tpu.vector_store_idx %arg24[%add3A_75], %broadcast_in_dim3A_5 : memref<1200xf32, #tpu.memory_space<vmem>>[vector<16xi32>], vector<16xf32>,
      }
      %scan3A_36 = arith.constant 75 : i32
      %scan3A_37 = arith.constant 0 : i32
      %scan3A_38 = arith.constant 0 : i32
      %scan3A_39 = arith.constant 64 : i32
      %scan3A_40 = arith.addi %scan3A_38, %scan3A_39 : i32
      %scan3A_41 = arith.constant 1 : i32
      scf.for %scan3A_71 = %scan3A_38 to %scan3A_40 step %scan3A_41  : i32 {
        %mul3A_72 = arith.constant 16 : i32
        %mul3A_73 = arith.muli %scan3A_71, %mul3A_72 : i32
        %add3A_74 = vector.broadcast %mul3A_73 : i32 to vector<16xi32>
        %add3A_75 = arith.addi %add3A_74, %iota3A : vector<16xi32>
        tpu.vector_store_idx %arg12[%add3A_75], %broadcast_in_dim3A_7 : memref<1024xi32, #tpu.memory_space<vmem>>[vector<16xi32>], vector<16xi32>,
      }
      %scan3A_42 = arith.constant 64 : i32
      %scan3A_43 = arith.constant 0 : i32
      %scan3A_44 = arith.constant 0 : i32
      %scan3A_45 = arith.constant 20 : i32
      %scan3A_46 = arith.addi %scan3A_44, %scan3A_45 : i32
      %scan3A_47 = arith.constant 1 : i32
      scf.for %scan3A_71 = %scan3A_44 to %scan3A_46 step %scan3A_47  : i32 {
        %mul3A_72 = arith.constant 16 : i32
        %mul3A_73 = arith.muli %scan3A_71, %mul3A_72 : i32
        %add3A_74 = vector.broadcast %mul3A_73 : i32 to vector<16xi32>
        %add3A_75 = arith.addi %add3A_74, %iota3A : vector<16xi32>
        tpu.vector_store_idx %arg19[%add3A_75], %broadcast_in_dim3A_5 : memref<320xf32, #tpu.memory_space<vmem>>[vector<16xi32>], vector<16xf32>,
        tpu.vector_store_idx %arg20[%add3A_75], %broadcast_in_dim3A_5 : memref<320xf32, #tpu.memory_space<vmem>>[vector<16xi32>], vector<16xf32>,
        tpu.vector_store_idx %arg21[%add3A_75], %broadcast_in_dim3A_5 : memref<320xf32, #tpu.memory_space<vmem>>[vector<16xi32>], vector<16xf32>,
        tpu.vector_store_idx %arg22[%add3A_75], %broadcast_in_dim3A_5 : memref<320xf32, #tpu.memory_space<vmem>>[vector<16xi32>], vector<16xf32>,
        tpu.vector_store_idx %arg23[%add3A_75], %broadcast_in_dim3A_5 : memref<320xf32, #tpu.memory_space<vmem>>[vector<16xi32>], vector<16xf32>,
      }
      %scan3A_48 = arith.constant 20 : i32
      %scan3A_49 = arith.constant 0 : i32
      %scan3A_50 = arith.constant 0 : i32
      %scan3A_51 = arith.constant 648 : i32
      %scan3A_52 = arith.addi %scan3A_50, %scan3A_51 : i32
      %scan3A_53 = arith.constant 1 : i32
      scf.for %scan3A_71 = %scan3A_50 to %scan3A_52 step %scan3A_53  : i32 {
        %mul3A_72 = arith.constant 2 : i32
        %mul3A_73 = arith.muli %scan3A_71, %mul3A_72 : i32
        %add3A_74 = arith.constant 0 : i32
        %add3A_75 = arith.addi %mul3A_73, %add3A_74 : i32
        %mul3A_76 = arith.constant 16 : i32
        %mul3A_77 = arith.muli %add3A_75, %mul3A_76 : i32
        %add3A_78 = vector.broadcast %mul3A_77 : i32 to vector<16xi32>
        %add3A_79 = arith.addi %add3A_78, %iota3A : vector<16xi32>
        %gather3A = tpu.vector_load_idx %arg5[%add3A_79] : memref<20736xf32, #tpu.memory_space<vmem>>[vector<16xi32>], vector<16xf32>,
        %mul3A_80 = arith.constant 1.024000e+03 : f32
        %mul3A_81 = vector.broadcast %mul3A_80 : f32 to vector<16xf32>
        %mul3A_82 = arith.mulf %gather3A, %mul3A_81 : vector<16xf32>
        %convert_element_type3A_83 = arith.fptosi %mul3A_82 : vector<16xf32> to vector<16xi32>
        %min3A = arith.constant 1023 : i32
        %min3A_84 = vector.broadcast %min3A : i32 to vector<16xi32>
        %min3A_85 = arith.minsi %convert_element_type3A_83, %min3A_84 : vector<16xi32>
        %mul3A_86 = arith.constant 16 : i32
        %mul3A_87 = vector.broadcast %mul3A_86 : i32 to vector<16xi32>
        %mul3A_88 = arith.muli %min3A_85, %mul3A_87 : vector<16xi32>
        %add3A_89 = arith.addi %mul3A_88, %iota3A : vector<16xi32>
        tpu.vector_store_idx %arg6[%add3A_89], %broadcast_in_dim3A_9 {add = true} : memref<16384xi32, #tpu.memory_space<vmem>>[vector<16xi32>], vector<16xi32>,
        %mul3A_90 = arith.constant 2 : i32
        %mul3A_91 = arith.muli %scan3A_71, %mul3A_90 : i32
        %add3A_92 = arith.constant 1 : i32
        %add3A_93 = arith.addi %mul3A_91, %add3A_92 : i32
        %mul3A_94 = arith.constant 16 : i32
        %mul3A_95 = arith.muli %add3A_93, %mul3A_94 : i32
        %add3A_96 = vector.broadcast %mul3A_95 : i32 to vector<16xi32>
        %add3A_97 = arith.addi %add3A_96, %iota3A : vector<16xi32>
        %gather3A_98 = tpu.vector_load_idx %arg5[%add3A_97] : memref<20736xf32, #tpu.memory_space<vmem>>[vector<16xi32>], vector<16xf32>,
        %mul3A_99 = arith.constant 1.024000e+03 : f32
        %mul3A_100 = vector.broadcast %mul3A_99 : f32 to vector<16xf32>
        %mul3A_101 = arith.mulf %gather3A_98, %mul3A_100 : vector<16xf32>
        %convert_element_type3A_102 = arith.fptosi %mul3A_101 : vector<16xf32> to vector<16xi32>
        %min3A_103 = arith.constant 1023 : i32
        %min3A_104 = vector.broadcast %min3A_103 : i32 to vector<16xi32>
        %min3A_105 = arith.minsi %convert_element_type3A_102, %min3A_104 : vector<16xi32>
        %mul3A_106 = arith.constant 16 : i32
        %mul3A_107 = vector.broadcast %mul3A_106 : i32 to vector<16xi32>
        %mul3A_108 = arith.muli %min3A_105, %mul3A_107 : vector<16xi32>
        %add3A_109 = arith.addi %mul3A_108, %iota3A : vector<16xi32>
        tpu.vector_store_idx %arg6[%add3A_109], %broadcast_in_dim3A_9 {add = true} : memref<16384xi32, #tpu.memory_space<vmem>>[vector<16xi32>], vector<16xi32>,
      }
      %scan3A_54 = arith.constant 648 : i32
      %scan3A_55 = arith.constant 0 : i32
      %scan3A_56 = arith.constant 0 : i32
      %scan3A_57 = arith.constant 512 : i32
      %scan3A_58 = arith.addi %scan3A_56, %scan3A_57 : i32
      %scan3A_59 = arith.constant 1 : i32
      %scan3A_60 = scf.for %scan3A_71 = %scan3A_56 to %scan3A_58 step %scan3A_59 iter_args(%scan3A_72 = %scan3A_55) -> (i32)  : i32 {
        %mul3A_73 = arith.constant 2 : i32
        %mul3A_74 = arith.muli %scan3A_71, %mul3A_73 : i32
        %add3A_75 = arith.constant 0 : i32
        %add3A_76 = arith.addi %mul3A_74, %add3A_75 : i32
        %sub3A = arith.constant 1023 : i32
        %sub3A_77 = arith.subi %sub3A, %add3A_76 : i32
        %mul3A_78 = arith.constant 16 : i32
        %mul3A_79 = arith.muli %sub3A_77, %mul3A_78 : i32
        %add3A_80 = vector.broadcast %mul3A_79 : i32 to vector<16xi32>
        %add3A_81 = arith.addi %add3A_80, %iota3A : vector<16xi32>
        %gather3A = tpu.vector_load_idx %arg6[%add3A_81] : memref<16384xi32, #tpu.memory_space<vmem>>[vector<16xi32>], vector<16xi32>,
        %broadcast_in_dim3A_82 = arith.constant true
        %broadcast_in_dim3A_83 = vector.broadcast %broadcast_in_dim3A_82 : i1 to vector<16xi1>
        %masked_cumsum3A = tpu.scan <sum>, %gather3A masked %broadcast_in_dim3A_83 : vector<16xi32>, vector<16xi1> -> vector<16xi32>
        %reduce_sum3A = arith.constant true
        %reduce_sum3A_84 = vector.broadcast %reduce_sum3A : i1 to vector<16xi1>
        %reduce_sum3A_85 = tpu.scan <sum>, %gather3A masked %reduce_sum3A_84 : vector<16xi32>, vector<16xi1> -> vector<16xi32>
        %reduce_sum3A_86 = vector.extract %reduce_sum3A_85[15] : i32 from vector<16xi32>
        %mul3A_87 = arith.constant 16 : i32
        %mul3A_88 = arith.muli %sub3A_77, %mul3A_87 : i32
        %add3A_89 = vector.broadcast %mul3A_88 : i32 to vector<16xi32>
        %add3A_90 = arith.addi %add3A_89, %iota3A : vector<16xi32>
        %sub3A_91 = arith.subi %masked_cumsum3A, %gather3A : vector<16xi32>
        %add3A_92 = vector.broadcast %scan3A_72 : i32 to vector<16xi32>
        %add3A_93 = arith.addi %sub3A_91, %add3A_92 : vector<16xi32>
        tpu.vector_store_idx %arg7[%add3A_90], %add3A_93 : memref<16384xi32, #tpu.memory_space<vmem>>[vector<16xi32>], vector<16xi32>,
        %broadcast_in_dim3A_94 = vector.broadcast %sub3A_77 : i32 to vector<16xi32>
        %broadcast_in_dim3A_95 = vector.broadcast %scan3A_72 : i32 to vector<16xi32>
        tpu.vector_store_idx %arg8[%broadcast_in_dim3A_94], %broadcast_in_dim3A_95 masked %eq3A_4 : memref<1024xi32, #tpu.memory_space<vmem>>[vector<16xi32>], vector<16xi32>, vector<16xi1>
        %broadcast_in_dim3A_96 = vector.broadcast %sub3A_77 : i32 to vector<16xi32>
        %broadcast_in_dim3A_97 = vector.broadcast %reduce_sum3A_86 : i32 to vector<16xi32>
        tpu.vector_store_idx %arg9[%broadcast_in_dim3A_96], %broadcast_in_dim3A_97 masked %eq3A_4 : memref<1024xi32, #tpu.memory_space<vmem>>[vector<16xi32>], vector<16xi32>, vector<16xi1>
        %add3A_98 = arith.addi %scan3A_72, %reduce_sum3A_86 : i32
        %mul3A_99 = arith.constant 2 : i32
        %mul3A_100 = arith.muli %scan3A_71, %mul3A_99 : i32
        %add3A_101 = arith.constant 1 : i32
        %add3A_102 = arith.addi %mul3A_100, %add3A_101 : i32
        %sub3A_103 = arith.constant 1023 : i32
        %sub3A_104 = arith.subi %sub3A_103, %add3A_102 : i32
        %mul3A_105 = arith.constant 16 : i32
        %mul3A_106 = arith.muli %sub3A_104, %mul3A_105 : i32
        %add3A_107 = vector.broadcast %mul3A_106 : i32 to vector<16xi32>
        %add3A_108 = arith.addi %add3A_107, %iota3A : vector<16xi32>
        %gather3A_109 = tpu.vector_load_idx %arg6[%add3A_108] : memref<16384xi32, #tpu.memory_space<vmem>>[vector<16xi32>], vector<16xi32>,
        %broadcast_in_dim3A_110 = arith.constant true
        %broadcast_in_dim3A_111 = vector.broadcast %broadcast_in_dim3A_110 : i1 to vector<16xi1>
        %masked_cumsum3A_112 = tpu.scan <sum>, %gather3A_109 masked %broadcast_in_dim3A_111 : vector<16xi32>, vector<16xi1> -> vector<16xi32>
        %reduce_sum3A_113 = arith.constant true
        %reduce_sum3A_114 = vector.broadcast %reduce_sum3A_113 : i1 to vector<16xi1>
        %reduce_sum3A_115 = tpu.scan <sum>, %gather3A_109 masked %reduce_sum3A_114 : vector<16xi32>, vector<16xi1> -> vector<16xi32>
        %reduce_sum3A_116 = vector.extract %reduce_sum3A_115[15] : i32 from vector<16xi32>
        %mul3A_117 = arith.constant 16 : i32
        %mul3A_118 = arith.muli %sub3A_104, %mul3A_117 : i32
        %add3A_119 = vector.broadcast %mul3A_118 : i32 to vector<16xi32>
        %add3A_120 = arith.addi %add3A_119, %iota3A : vector<16xi32>
        %sub3A_121 = arith.subi %masked_cumsum3A_112, %gather3A_109 : vector<16xi32>
        %add3A_122 = vector.broadcast %add3A_98 : i32 to vector<16xi32>
        %add3A_123 = arith.addi %sub3A_121, %add3A_122 : vector<16xi32>
        tpu.vector_store_idx %arg7[%add3A_120], %add3A_123 : memref<16384xi32, #tpu.memory_space<vmem>>[vector<16xi32>], vector<16xi32>,
        %broadcast_in_dim3A_124 = vector.broadcast %sub3A_104 : i32 to vector<16xi32>
        %broadcast_in_dim3A_125 = vector.broadcast %add3A_98 : i32 to vector<16xi32>
        tpu.vector_store_idx %arg8[%broadcast_in_dim3A_124], %broadcast_in_dim3A_125 masked %eq3A_4 : memref<1024xi32, #tpu.memory_space<vmem>>[vector<16xi32>], vector<16xi32>, vector<16xi1>
        %broadcast_in_dim3A_126 = vector.broadcast %sub3A_104 : i32 to vector<16xi32>
        %broadcast_in_dim3A_127 = vector.broadcast %reduce_sum3A_116 : i32 to vector<16xi32>
        tpu.vector_store_idx %arg9[%broadcast_in_dim3A_126], %broadcast_in_dim3A_127 masked %eq3A_4 : memref<1024xi32, #tpu.memory_space<vmem>>[vector<16xi32>], vector<16xi32>, vector<16xi1>
        %add3A_128 = arith.addi %add3A_98, %reduce_sum3A_116 : i32
        scf.yield %add3A_128 : i32
      }
      %scan3A_61 = arith.constant 512 : i32
      %scan3A_62 = arith.constant 0 : i32
      %scan3A_63 = arith.constant 0 : i32
      %scan3A_64 = arith.constant 648 : i32
      %scan3A_65 = arith.addi %scan3A_63, %scan3A_64 : i32
      %scan3A_66 = arith.constant 1 : i32
      scf.for %scan3A_71 = %scan3A_63 to %scan3A_65 step %scan3A_66  : i32 {
        %mul3A_72 = arith.constant 2 : i32
        %mul3A_73 = arith.muli %scan3A_71, %mul3A_72 : i32
        %add3A_74 = arith.constant 0 : i32
        %add3A_75 = arith.addi %mul3A_73, %add3A_74 : i32
        %mul3A_76 = arith.constant 16 : i32
        %mul3A_77 = arith.muli %add3A_75, %mul3A_76 : i32
        %add3A_78 = vector.broadcast %mul3A_77 : i32 to vector<16xi32>
        %add3A_79 = arith.addi %add3A_78, %iota3A : vector<16xi32>
        %gather3A = tpu.vector_load_idx %arg5[%add3A_79] : memref<20736xf32, #tpu.memory_space<vmem>>[vector<16xi32>], vector<16xf32>,
        %mul3A_80 = arith.constant 1.024000e+03 : f32
        %mul3A_81 = vector.broadcast %mul3A_80 : f32 to vector<16xf32>
        %mul3A_82 = arith.mulf %gather3A, %mul3A_81 : vector<16xf32>
        %convert_element_type3A_83 = arith.fptosi %mul3A_82 : vector<16xf32> to vector<16xi32>
        %min3A = arith.constant 1023 : i32
        %min3A_84 = vector.broadcast %min3A : i32 to vector<16xi32>
        %min3A_85 = arith.minsi %convert_element_type3A_83, %min3A_84 : vector<16xi32>
        %mul3A_86 = arith.constant 16 : i32
        %mul3A_87 = vector.broadcast %mul3A_86 : i32 to vector<16xi32>
        %mul3A_88 = arith.muli %min3A_85, %mul3A_87 : vector<16xi32>
        %add3A_89 = arith.addi %mul3A_88, %iota3A : vector<16xi32>
        %gather3A_90 = tpu.vector_load_idx %arg7[%add3A_89] : memref<16384xi32, #tpu.memory_space<vmem>>[vector<16xi32>], vector<16xi32>,
        %add3A_91 = arith.constant 1 : i32
        %add3A_92 = vector.broadcast %add3A_91 : i32 to vector<16xi32>
        %add3A_93 = arith.addi %gather3A_90, %add3A_92 : vector<16xi32>
        tpu.vector_store_idx %arg7[%add3A_89], %add3A_93 : memref<16384xi32, #tpu.memory_space<vmem>>[vector<16xi32>], vector<16xi32>,
        tpu.vector_store_idx %arg10[%gather3A_90], %gather3A : memref<20736xf32, #tpu.memory_space<vmem>>[vector<16xi32>], vector<16xf32>,
        tpu.vector_store_idx %arg11[%gather3A_90], %add3A_79 : memref<20736xi32, #tpu.memory_space<vmem>>[vector<16xi32>], vector<16xi32>,
        %mul3A_94 = arith.constant 2 : i32
        %mul3A_95 = arith.muli %scan3A_71, %mul3A_94 : i32
        %add3A_96 = arith.constant 1 : i32
        %add3A_97 = arith.addi %mul3A_95, %add3A_96 : i32
        %mul3A_98 = arith.constant 16 : i32
        %mul3A_99 = arith.muli %add3A_97, %mul3A_98 : i32
        %add3A_100 = vector.broadcast %mul3A_99 : i32 to vector<16xi32>
        %add3A_101 = arith.addi %add3A_100, %iota3A : vector<16xi32>
        %gather3A_102 = tpu.vector_load_idx %arg5[%add3A_101] : memref<20736xf32, #tpu.memory_space<vmem>>[vector<16xi32>], vector<16xf32>,
        %mul3A_103 = arith.constant 1.024000e+03 : f32
        %mul3A_104 = vector.broadcast %mul3A_103 : f32 to vector<16xf32>
        %mul3A_105 = arith.mulf %gather3A_102, %mul3A_104 : vector<16xf32>
        %convert_element_type3A_106 = arith.fptosi %mul3A_105 : vector<16xf32> to vector<16xi32>
        %min3A_107 = arith.constant 1023 : i32
        %min3A_108 = vector.broadcast %min3A_107 : i32 to vector<16xi32>
        %min3A_109 = arith.minsi %convert_element_type3A_106, %min3A_108 : vector<16xi32>
        %mul3A_110 = arith.constant 16 : i32
        %mul3A_111 = vector.broadcast %mul3A_110 : i32 to vector<16xi32>
        %mul3A_112 = arith.muli %min3A_109, %mul3A_111 : vector<16xi32>
        %add3A_113 = arith.addi %mul3A_112, %iota3A : vector<16xi32>
        %gather3A_114 = tpu.vector_load_idx %arg7[%add3A_113] : memref<16384xi32, #tpu.memory_space<vmem>>[vector<16xi32>], vector<16xi32>,
        %add3A_115 = arith.constant 1 : i32
        %add3A_116 = vector.broadcast %add3A_115 : i32 to vector<16xi32>
        %add3A_117 = arith.addi %gather3A_114, %add3A_116 : vector<16xi32>
        tpu.vector_store_idx %arg7[%add3A_113], %add3A_117 : memref<16384xi32, #tpu.memory_space<vmem>>[vector<16xi32>], vector<16xi32>,
        tpu.vector_store_idx %arg10[%gather3A_114], %gather3A_102 : memref<20736xf32, #tpu.memory_space<vmem>>[vector<16xi32>], vector<16xf32>,
        tpu.vector_store_idx %arg11[%gather3A_114], %add3A_101 : memref<20736xi32, #tpu.memory_space<vmem>>[vector<16xi32>], vector<16xi32>,
      }
      %scan3A_67 = arith.constant 648 : i32
      %while3A = arith.constant 1023 : i32
      %while3A_68 = arith.constant 0 : i32
      %while3A_69 = arith.constant 0 : i32
      %while3A_70:3 = scf.while (%while3A_71 = %while3A, %while3A_72 = %while3A_68, %while3A_73 = %while3A_69) : (i32, i32, i32) -> (i32, i32, i32) {
        %eq3A_74 = arith.constant 0 : i32
        %eq3A_75 = arith.cmpi eq, %while3A_73, %eq3A_74 : i32
        %ge3A = arith.constant 0 : i32
        %ge3A_76 = arith.cmpi sge, %while3A_71, %ge3A : i32
        %and3A = arith.andi %eq3A_75, %ge3A_76 : i1
        %lt3A_77 = arith.constant 300 : i32
        %lt3A_78 = arith.cmpi slt, %while3A_72, %lt3A_77 : i32
        %and3A_79 = arith.andi %and3A, %lt3A_78 : i1
        scf.condition(%and3A_79) %while3A_71, %while3A_72, %while3A_73 : i32, i32, i32
      } do {
      ^bb0(%while3A_71: i32, %while3A_72: i32, %while3A_73: i32):
        %broadcast_in_dim3A_74 = vector.broadcast %while3A_71 : i32 to vector<16xi32>
        %gather3A = tpu.vector_load_idx %arg8[%broadcast_in_dim3A_74] : memref<1024xi32, #tpu.memory_space<vmem>>[vector<16xi32>], vector<16xi32>,
        %slice3A = vector.extract_strided_slice %gather3A {offsets = [0], sizes = [1], strides = [1]} : vector<16xi32> to vector<1xi32>
        %squeeze3A = vector.extract %slice3A[0] : i32 from vector<1xi32>
        %broadcast_in_dim3A_75 = vector.broadcast %while3A_71 : i32 to vector<16xi32>
        %gather3A_76 = tpu.vector_load_idx %arg9[%broadcast_in_dim3A_75] : memref<1024xi32, #tpu.memory_space<vmem>>[vector<16xi32>], vector<16xi32>,
        %slice3A_77 = vector.extract_strided_slice %gather3A_76 {offsets = [0], sizes = [1], strides = [1]} : vector<16xi32> to vector<1xi32>
        %squeeze3A_78 = vector.extract %slice3A_77[0] : i32 from vector<1xi32>
        %sub3A = arith.constant 6000 : i32
        %sub3A_79 = arith.subi %sub3A, %squeeze3A : i32
        %min3A = arith.minsi %squeeze3A_78, %sub3A_79 : i32
        %ge3A = arith.constant 6000 : i32
        %ge3A_80 = arith.cmpi sge, %squeeze3A, %ge3A : i32
        %jit3A = arith.constant 1 : i32
        %select_n3A = arith.select %ge3A_80, %jit3A, %while3A_73 : i32
        %eq3A_81 = arith.constant 0 : i32
        %eq3A_82 = arith.cmpi eq, %select_n3A, %eq3A_81 : i32
        %gt3A = arith.constant 0 : i32
        %gt3A_83 = arith.cmpi sgt, %min3A, %gt3A : i32
        %and3A = arith.andi %eq3A_82, %gt3A_83 : i1
        %convert_element_type3A_84 = arith.extui %and3A : i1 to i32
        %cond3A_85 = arith.constant 0 : i32
        %cond3A_86 = arith.cmpi ne, %convert_element_type3A_84, %cond3A_85 : i32
        %cond3A_87 = scf.if %cond3A_86 -> (i32) {
          %add3A_90 = arith.constant 15 : i32
          %add3A_91 = arith.addi %squeeze3A_78, %add3A_90 : i32
          %shift_right_arithmetic3A = arith.constant 4 : i32
          %shift_right_arithmetic3A_92 = arith.shrsi %add3A_91, %shift_right_arithmetic3A : i32
          %while3A_93 = arith.constant -1 : i32
          %while3A_94 = arith.constant 0 : i32
          %while3A_95:2 = scf.while (%while3A_96 = %while3A_94, %while3A_97 = %while3A_72) : (i32, i32) -> (i32, i32) {
            %lt3A_98 = arith.cmpi slt, %while3A_96, %min3A : i32
            %lt3A_99 = arith.constant 300 : i32
            %lt3A_100 = arith.cmpi slt, %while3A_97, %lt3A_99 : i32
            %and3A_101 = arith.andi %lt3A_98, %lt3A_100 : i1
            scf.condition(%and3A_101) %while3A_96, %while3A_97 : i32, i32
          } do {
          ^bb0(%while3A_96: i32, %while3A_97: i32):
            %while3A_98 = arith.constant 0 : i32
            %while3A_99 = arith.constant -1.000000e+00 : f32
            %while3A_100 = arith.constant 1073741824 : i32
            %while3A_101 = arith.subi %shift_right_arithmetic3A_92, %while3A_98 : i32
            %while3A_102 = arith.addi %while3A_98, %while3A_101 : i32
            %while3A_103 = arith.constant 1 : i32
            %while3A_104 = arith.divsi %while3A_101, %while3A_103 : i32
            %while3A_105 = arith.muli %while3A_104, %while3A_103 : i32
            %while3A_106 = arith.addi %while3A_98, %while3A_105 : i32
            %while3A_107 = arith.constant 1 : i32
            %while3A_108:2 = scf.for %while3A_188 = %while3A_98 to %while3A_106 step %while3A_107 iter_args(%while3A_189 = %while3A_99, %while3A_190 = %while3A_100) -> (f32, i32)  : i32 {
              %mul3A_191 = arith.constant 16 : i32
              %mul3A_192 = arith.muli %while3A_188, %mul3A_191 : i32
              %add3A_193 = vector.broadcast %mul3A_192 : i32 to vector<16xi32>
              %add3A_194 = arith.addi %add3A_193, %iota3A : vector<16xi32>
              %lt3A_195 = vector.broadcast %squeeze3A_78 : i32 to vector<16xi32>
              %lt3A_196 = arith.cmpi slt, %add3A_194, %lt3A_195 : vector<16xi32>
              %add3A_197 = vector.broadcast %squeeze3A : i32 to vector<16xi32>
              %add3A_198 = arith.addi %add3A_197, %add3A_194 : vector<16xi32>
              %min3A_199 = arith.constant 20735 : i32
              %min3A_200 = vector.broadcast %min3A_199 : i32 to vector<16xi32>
              %min3A_201 = arith.minsi %add3A_198, %min3A_200 : vector<16xi32>
              %gather3A_202 = tpu.vector_load_idx %arg10[%min3A_201] : memref<20736xf32, #tpu.memory_space<vmem>>[vector<16xi32>], vector<16xf32>,
              %jit3A_203 = arith.constant -1.000000e+00 : f32
              %broadcast_in_dim3A_204 = vector.broadcast %jit3A_203 : f32 to vector<16xf32>
              %select_n3A_205 = arith.select %lt3A_196, %gather3A_202, %broadcast_in_dim3A_204 : vector<16xi1>, vector<16xf32>
              %reduce_max3A_206 = arith.constant true
              %reduce_max3A_207 = vector.broadcast %reduce_max3A_206 : i1 to vector<16xi1>
              %reduce_max3A_208 = tpu.scan <max>, %select_n3A_205 masked %reduce_max3A_207 : vector<16xf32>, vector<16xi1> -> vector<16xf32>
              %reduce_max3A_209 = vector.extract %reduce_max3A_208[15] : f32 from vector<16xf32>
              %gather3A_210 = tpu.vector_load_idx %arg11[%min3A_201] : memref<20736xi32, #tpu.memory_space<vmem>>[vector<16xi32>], vector<16xi32>,
              %eq3A_211 = vector.broadcast %reduce_max3A_209 : f32 to vector<16xf32>
              %eq3A_212 = arith.cmpf oeq, %select_n3A_205, %eq3A_211 : vector<16xf32>
              %shift_left3A = arith.constant 15 : i32
              %shift_left3A_213 = vector.broadcast %shift_left3A : i32 to vector<16xi32>
              %shift_left3A_214 = arith.shli %gather3A_210, %shift_left3A_213 : vector<16xi32>
              %or3A = arith.ori %shift_left3A_214, %add3A_194 : vector<16xi32>
              %jit3A_215 = arith.constant 1073741824 : i32
              %broadcast_in_dim3A_216 = vector.broadcast %jit3A_215 : i32 to vector<16xi32>
              %select_n3A_217 = arith.select %eq3A_212, %or3A, %broadcast_in_dim3A_216 : vector<16xi1>, vector<16xi32>
              %reduce_min3A = arith.constant true
              %reduce_min3A_218 = vector.broadcast %reduce_min3A : i1 to vector<16xi1>
              %reduce_min3A_219 = arith.constant -2147483648 : i32
              %reduce_min3A_220 = vector.broadcast %reduce_min3A_219 : i32 to vector<16xi32>
              %reduce_min3A_221 = arith.xori %select_n3A_217, %reduce_min3A_220 : vector<16xi32>
              %reduce_min3A_222 = tpu.scan <min>, %reduce_min3A_221 masked %reduce_min3A_218 : vector<16xi32>, vector<16xi1> -> vector<16xi32>
              %reduce_min3A_223 = arith.xori %reduce_min3A_222, %reduce_min3A_220 : vector<16xi32>
              %reduce_min3A_224 = vector.extract %reduce_min3A_223[15] : i32 from vector<16xi32>
              %gt3A_225 = arith.cmpf ogt, %reduce_max3A_209, %while3A_189 : f32
              %eq3A_226 = arith.cmpf oeq, %reduce_max3A_209, %while3A_189 : f32
              %lt3A_227 = arith.cmpi slt, %reduce_min3A_224, %while3A_190 : i32
              %and3A_228 = arith.andi %eq3A_226, %lt3A_227 : i1
              %or3A_229 = arith.ori %gt3A_225, %and3A_228 : i1
              %max3A = arith.maximumf %while3A_189, %reduce_max3A_209 : f32
              %select_n3A_230 = arith.select %or3A_229, %reduce_min3A_224, %while3A_190 : i32
              scf.yield %max3A, %select_n3A_230 : f32, i32
            }
            %while3A_109 = arith.constant 1 : i32
            %while3A_110:2 = scf.for %while3A_188 = %while3A_106 to %while3A_102 step %while3A_109 iter_args(%while3A_189 = %while3A_108#0, %while3A_190 = %while3A_108#1) -> (f32, i32)  : i32 {
              %mul3A_191 = arith.constant 16 : i32
              %mul3A_192 = arith.muli %while3A_188, %mul3A_191 : i32
              %add3A_193 = vector.broadcast %mul3A_192 : i32 to vector<16xi32>
              %add3A_194 = arith.addi %add3A_193, %iota3A : vector<16xi32>
              %lt3A_195 = vector.broadcast %squeeze3A_78 : i32 to vector<16xi32>
              %lt3A_196 = arith.cmpi slt, %add3A_194, %lt3A_195 : vector<16xi32>
              %add3A_197 = vector.broadcast %squeeze3A : i32 to vector<16xi32>
              %add3A_198 = arith.addi %add3A_197, %add3A_194 : vector<16xi32>
              %min3A_199 = arith.constant 20735 : i32
              %min3A_200 = vector.broadcast %min3A_199 : i32 to vector<16xi32>
              %min3A_201 = arith.minsi %add3A_198, %min3A_200 : vector<16xi32>
              %gather3A_202 = tpu.vector_load_idx %arg10[%min3A_201] : memref<20736xf32, #tpu.memory_space<vmem>>[vector<16xi32>], vector<16xf32>,
              %jit3A_203 = arith.constant -1.000000e+00 : f32
              %broadcast_in_dim3A_204 = vector.broadcast %jit3A_203 : f32 to vector<16xf32>
              %select_n3A_205 = arith.select %lt3A_196, %gather3A_202, %broadcast_in_dim3A_204 : vector<16xi1>, vector<16xf32>
              %reduce_max3A_206 = arith.constant true
              %reduce_max3A_207 = vector.broadcast %reduce_max3A_206 : i1 to vector<16xi1>
              %reduce_max3A_208 = tpu.scan <max>, %select_n3A_205 masked %reduce_max3A_207 : vector<16xf32>, vector<16xi1> -> vector<16xf32>
              %reduce_max3A_209 = vector.extract %reduce_max3A_208[15] : f32 from vector<16xf32>
              %gather3A_210 = tpu.vector_load_idx %arg11[%min3A_201] : memref<20736xi32, #tpu.memory_space<vmem>>[vector<16xi32>], vector<16xi32>,
              %eq3A_211 = vector.broadcast %reduce_max3A_209 : f32 to vector<16xf32>
              %eq3A_212 = arith.cmpf oeq, %select_n3A_205, %eq3A_211 : vector<16xf32>
              %shift_left3A = arith.constant 15 : i32
              %shift_left3A_213 = vector.broadcast %shift_left3A : i32 to vector<16xi32>
              %shift_left3A_214 = arith.shli %gather3A_210, %shift_left3A_213 : vector<16xi32>
              %or3A = arith.ori %shift_left3A_214, %add3A_194 : vector<16xi32>
              %jit3A_215 = arith.constant 1073741824 : i32
              %broadcast_in_dim3A_216 = vector.broadcast %jit3A_215 : i32 to vector<16xi32>
              %select_n3A_217 = arith.select %eq3A_212, %or3A, %broadcast_in_dim3A_216 : vector<16xi1>, vector<16xi32>
              %reduce_min3A = arith.constant true
              %reduce_min3A_218 = vector.broadcast %reduce_min3A : i1 to vector<16xi1>
              %reduce_min3A_219 = arith.constant -2147483648 : i32
              %reduce_min3A_220 = vector.broadcast %reduce_min3A_219 : i32 to vector<16xi32>
              %reduce_min3A_221 = arith.xori %select_n3A_217, %reduce_min3A_220 : vector<16xi32>
              %reduce_min3A_222 = tpu.scan <min>, %reduce_min3A_221 masked %reduce_min3A_218 : vector<16xi32>, vector<16xi1> -> vector<16xi32>
              %reduce_min3A_223 = arith.xori %reduce_min3A_222, %reduce_min3A_220 : vector<16xi32>
              %reduce_min3A_224 = vector.extract %reduce_min3A_223[15] : i32 from vector<16xi32>
              %gt3A_225 = arith.cmpf ogt, %reduce_max3A_209, %while3A_189 : f32
              %eq3A_226 = arith.cmpf oeq, %reduce_max3A_209, %while3A_189 : f32
              %lt3A_227 = arith.cmpi slt, %reduce_min3A_224, %while3A_190 : i32
              %and3A_228 = arith.andi %eq3A_226, %lt3A_227 : i1
              %or3A_229 = arith.ori %gt3A_225, %and3A_228 : i1
              %max3A = arith.maximumf %while3A_189, %reduce_max3A_209 : f32
              %select_n3A_230 = arith.select %or3A_229, %reduce_min3A_224, %while3A_190 : i32
              scf.yield %max3A, %select_n3A_230 : f32, i32
            }
            %and3A_111 = arith.constant 32767 : i32
            %and3A_112 = arith.andi %while3A_110#1, %and3A_111 : i32
            %add3A_113 = arith.addi %squeeze3A, %and3A_112 : i32
            %broadcast_in_dim3A_114 = vector.broadcast %add3A_113 : i32 to vector<16xi32>
            %broadcast_in_dim3A_115 = arith.constant -1.000000e+00 : f32
            %broadcast_in_dim3A_116 = vector.broadcast %broadcast_in_dim3A_115 : f32 to vector<16xf32>
            tpu.vector_store_idx %arg10[%broadcast_in_dim3A_114], %broadcast_in_dim3A_116 masked %eq3A_4 : memref<20736xf32, #tpu.memory_space<vmem>>[vector<16xi32>], vector<16xf32>, vector<16xi1>
            %shift_right_arithmetic3A_117 = arith.constant 10 : i32
            %shift_right_arithmetic3A_118 = arith.shrsi %and3A_112, %shift_right_arithmetic3A_117 : i32
            %ne3A = arith.cmpi ne, %shift_right_arithmetic3A_118, %while3A_93 : i32
            %convert_element_type3A_119 = arith.extui %ne3A : i1 to i32
            %cond3A_120 = arith.constant 0 : i32
            %cond3A_121 = arith.cmpi ne, %convert_element_type3A_119, %cond3A_120 : i32
            scf.if %cond3A_121 {
              %mul3A_188 = arith.constant 1024 : i32
              %mul3A_189 = arith.muli %shift_right_arithmetic3A_118, %mul3A_188 : i32
              %sub3A_190 = arith.subi %squeeze3A_78, %mul3A_189 : i32
              %min3A_191 = arith.constant 1024 : i32
              %min3A_192 = arith.minsi %sub3A_190, %min3A_191 : i32
              %add3A_193 = arith.constant 15 : i32
              %add3A_194 = arith.addi %min3A_192, %add3A_193 : i32
              %shift_right_arithmetic3A_195 = arith.constant 4 : i32
              %shift_right_arithmetic3A_196 = arith.shrsi %add3A_194, %shift_right_arithmetic3A_195 : i32
              %add3A_197 = arith.constant 127 : i32
              %add3A_198 = arith.addi %min3A_192, %add3A_197 : i32
              %shift_right_arithmetic3A_199 = arith.constant 7 : i32
              %shift_right_arithmetic3A_200 = arith.shrsi %add3A_198, %shift_right_arithmetic3A_199 : i32
              %mul3A_201 = arith.constant 8 : i32
              %mul3A_202 = arith.muli %shift_right_arithmetic3A_200, %mul3A_201 : i32
              %while3A_203 = arith.constant 0 : i32
              %while3A_204 = arith.constant 0 : i32
              %while3A_205 = arith.subi %mul3A_202, %while3A_204 : i32
              %while3A_206 = arith.addi %while3A_204, %while3A_205 : i32
              %while3A_207 = arith.constant 1 : i32
              %while3A_208 = arith.divsi %while3A_205, %while3A_207 : i32
              %while3A_209 = arith.muli %while3A_208, %while3A_207 : i32
              %while3A_210 = arith.addi %while3A_204, %while3A_209 : i32
              %while3A_211 = arith.constant 1 : i32
              scf.for %while3A_303 = %while3A_204 to %while3A_210 step %while3A_211  : i32 {
                %mul3A_304 = arith.constant 16 : i32
                %mul3A_305 = arith.muli %while3A_303, %mul3A_304 : i32
                %add3A_306 = vector.broadcast %mul3A_305 : i32 to vector<16xi32>
                %add3A_307 = arith.addi %add3A_306, %iota3A : vector<16xi32>
                %lt3A_308 = vector.broadcast %min3A_192 : i32 to vector<16xi32>
                %lt3A_309 = arith.cmpi slt, %add3A_307, %lt3A_308 : vector<16xi32>
                %add3A_310 = arith.addi %squeeze3A, %mul3A_189 : i32
                %add3A_311 = vector.broadcast %add3A_310 : i32 to vector<16xi32>
                %add3A_312 = arith.addi %add3A_311, %add3A_307 : vector<16xi32>
                %min3A_313 = arith.constant 20735 : i32
                %min3A_314 = vector.broadcast %min3A_313 : i32 to vector<16xi32>
                %min3A_315 = arith.minsi %add3A_312, %min3A_314 : vector<16xi32>
                %gather3A_316 = tpu.vector_load_idx %arg11[%min3A_315] : memref<20736xi32, #tpu.memory_space<vmem>>[vector<16xi32>], vector<16xi32>,
                %select_n3A_317 = arith.select %lt3A_309, %gather3A_316, %add3A_307 : vector<16xi1>, vector<16xi32>
                %mul3A_318 = arith.constant 20736 : i32
                %mul3A_319 = arith.muli %add3A, %mul3A_318 : i32
                %add3A_320 = vector.broadcast %mul3A_319 : i32 to vector<16xi32>
                %add3A_321 = arith.addi %select_n3A_317, %add3A_320 : vector<16xi32>
                tpu.vector_store_idx %arg12[%add3A_307], %add3A_321 : memref<1024xi32, #tpu.memory_space<vmem>>[vector<16xi32>], vector<16xi32>,
              }
              %while3A_212 = arith.constant 1 : i32
              scf.for %while3A_303 = %while3A_210 to %while3A_206 step %while3A_212  : i32 {
                %mul3A_304 = arith.constant 16 : i32
                %mul3A_305 = arith.muli %while3A_303, %mul3A_304 : i32
                %add3A_306 = vector.broadcast %mul3A_305 : i32 to vector<16xi32>
                %add3A_307 = arith.addi %add3A_306, %iota3A : vector<16xi32>
                %lt3A_308 = vector.broadcast %min3A_192 : i32 to vector<16xi32>
                %lt3A_309 = arith.cmpi slt, %add3A_307, %lt3A_308 : vector<16xi32>
                %add3A_310 = arith.addi %squeeze3A, %mul3A_189 : i32
                %add3A_311 = vector.broadcast %add3A_310 : i32 to vector<16xi32>
                %add3A_312 = arith.addi %add3A_311, %add3A_307 : vector<16xi32>
                %min3A_313 = arith.constant 20735 : i32
                %min3A_314 = vector.broadcast %min3A_313 : i32 to vector<16xi32>
                %min3A_315 = arith.minsi %add3A_312, %min3A_314 : vector<16xi32>
                %gather3A_316 = tpu.vector_load_idx %arg11[%min3A_315] : memref<20736xi32, #tpu.memory_space<vmem>>[vector<16xi32>], vector<16xi32>,
                %select_n3A_317 = arith.select %lt3A_309, %gather3A_316, %add3A_307 : vector<16xi1>, vector<16xi32>
                %mul3A_318 = arith.constant 20736 : i32
                %mul3A_319 = arith.muli %add3A, %mul3A_318 : i32
                %add3A_320 = vector.broadcast %mul3A_319 : i32 to vector<16xi32>
                %add3A_321 = arith.addi %select_n3A_317, %add3A_320 : vector<16xi32>
                tpu.vector_store_idx %arg12[%add3A_307], %add3A_321 : memref<1024xi32, #tpu.memory_space<vmem>>[vector<16xi32>], vector<16xi32>,
              }
              %gt3A_213 = arith.constant 0 : i32
              %gt3A_214 = arith.cmpi sgt, %shift_right_arithmetic3A_200, %gt3A_213 : i32
              %convert_element_type3A_215 = arith.extui %gt3A_214 : i1 to i32
              %cond3A_216 = arith.constant 0 : i32
              %cond3A_217 = arith.cmpi ne, %convert_element_type3A_215, %cond3A_216 : i32
              scf.if %cond3A_217 {
                %dma_start3A = arith.constant 0 : i32
                %dma_start3A_303 = arith.constant 0 : i32
                %dma_start3A_304 = tpu.memref_slice %arg13[%dma_start3A, %dma_start3A_303] : memref<1024x16xf32, #tpu.memory_space<vmem>> -> memref<128x16xf32, #tpu.memory_space<vmem>>
                %dma_start3A_305 = arith.constant 0 : i32
                %dma_start3A_306 = tpu.memref_slice %arg12[%dma_start3A_305] : memref<1024xi32, #tpu.memory_space<vmem>> -> memref<128xi32, #tpu.memory_space<vmem>>
                %dma_start3A_307 = arith.constant 0 : i32
                %dma_start3A_308 = arith.constant 0 : i32
                %dma_start3A_309 = tpu.memref_slice %arg3[%dma_start3A_307, %dma_start3A_308] : memref<82944x16xf32, #tpu.memory_space<hbm>> -> memref<82944x16xf32, #tpu.memory_space<hbm>>
                tpu.enqueue_indirect_dma source(%dma_start3A_309 : memref<82944x16xf32, #tpu.memory_space<hbm>>) target(%dma_start3A_304 : memref<128x16xf32, #tpu.memory_space<vmem>>) offsets(%dma_start3A_306 : memref<128xi32, #tpu.memory_space<vmem>>) semaphore(%arg25 : memref<!tpu.dma_semaphore, #tpu.memory_space<semaphore_mem>>)
              } else {
              }
              %gt3A_218 = arith.constant 1 : i32
              %gt3A_219 = arith.cmpi sgt, %shift_right_arithmetic3A_200, %gt3A_218 : i32
              %convert_element_type3A_220 = arith.extui %gt3A_219 : i1 to i32
              %cond3A_221 = arith.constant 0 : i32
              %cond3A_222 = arith.cmpi ne, %convert_element_type3A_220, %cond3A_221 : i32
              scf.if %cond3A_222 {
                %dma_start3A = arith.constant 128 : i32
                %dma_start3A_303 = arith.constant 0 : i32
                %dma_start3A_304 = tpu.memref_slice %arg13[%dma_start3A, %dma_start3A_303] : memref<1024x16xf32, #tpu.memory_space<vmem>> -> memref<128x16xf32, #tpu.memory_space<vmem>>
                %dma_start3A_305 = arith.constant 128 : i32
                %dma_start3A_306 = tpu.memref_slice %arg12[%dma_start3A_305] : memref<1024xi32, #tpu.memory_space<vmem>> -> memref<128xi32, #tpu.memory_space<vmem>>
                %dma_start3A_307 = arith.constant 0 : i32
                %dma_start3A_308 = arith.constant 0 : i32
                %dma_start3A_309 = tpu.memref_slice %arg3[%dma_start3A_307, %dma_start3A_308] : memref<82944x16xf32, #tpu.memory_space<hbm>> -> memref<82944x16xf32, #tpu.memory_space<hbm>>
                tpu.enqueue_indirect_dma source(%dma_start3A_309 : memref<82944x16xf32, #tpu.memory_space<hbm>>) target(%dma_start3A_304 : memref<128x16xf32, #tpu.memory_space<vmem>>) offsets(%dma_start3A_306 : memref<128xi32, #tpu.memory_space<vmem>>) semaphore(%arg25 : memref<!tpu.dma_semaphore, #tpu.memory_space<semaphore_mem>>)
              } else {
              }
              %gt3A_223 = arith.constant 2 : i32
              %gt3A_224 = arith.cmpi sgt, %shift_right_arithmetic3A_200, %gt3A_223 : i32
              %convert_element_type3A_225 = arith.extui %gt3A_224 : i1 to i32
              %cond3A_226 = arith.constant 0 : i32
              %cond3A_227 = arith.cmpi ne, %convert_element_type3A_225, %cond3A_226 : i32
              scf.if %cond3A_227 {
                %dma_start3A = arith.constant 256 : i32
                %dma_start3A_303 = arith.constant 0 : i32
                %dma_start3A_304 = tpu.memref_slice %arg13[%dma_start3A, %dma_start3A_303] : memref<1024x16xf32, #tpu.memory_space<vmem>> -> memref<128x16xf32, #tpu.memory_space<vmem>>
                %dma_start3A_305 = arith.constant 256 : i32
                %dma_start3A_306 = tpu.memref_slice %arg12[%dma_start3A_305] : memref<1024xi32, #tpu.memory_space<vmem>> -> memref<128xi32, #tpu.memory_space<vmem>>
                %dma_start3A_307 = arith.constant 0 : i32
                %dma_start3A_308 = arith.constant 0 : i32
                %dma_start3A_309 = tpu.memref_slice %arg3[%dma_start3A_307, %dma_start3A_308] : memref<82944x16xf32, #tpu.memory_space<hbm>> -> memref<82944x16xf32, #tpu.memory_space<hbm>>
                tpu.enqueue_indirect_dma source(%dma_start3A_309 : memref<82944x16xf32, #tpu.memory_space<hbm>>) target(%dma_start3A_304 : memref<128x16xf32, #tpu.memory_space<vmem>>) offsets(%dma_start3A_306 : memref<128xi32, #tpu.memory_space<vmem>>) semaphore(%arg25 : memref<!tpu.dma_semaphore, #tpu.memory_space<semaphore_mem>>)
              } else {
              }
              %gt3A_228 = arith.constant 3 : i32
              %gt3A_229 = arith.cmpi sgt, %shift_right_arithmetic3A_200, %gt3A_228 : i32
              %convert_element_type3A_230 = arith.extui %gt3A_229 : i1 to i32
              %cond3A_231 = arith.constant 0 : i32
              %cond3A_232 = arith.cmpi ne, %convert_element_type3A_230, %cond3A_231 : i32
              scf.if %cond3A_232 {
                %dma_start3A = arith.constant 384 : i32
                %dma_start3A_303 = arith.constant 0 : i32
                %dma_start3A_304 = tpu.memref_slice %arg13[%dma_start3A, %dma_start3A_303] : memref<1024x16xf32, #tpu.memory_space<vmem>> -> memref<128x16xf32, #tpu.memory_space<vmem>>
                %dma_start3A_305 = arith.constant 384 : i32
                %dma_start3A_306 = tpu.memref_slice %arg12[%dma_start3A_305] : memref<1024xi32, #tpu.memory_space<vmem>> -> memref<128xi32, #tpu.memory_space<vmem>>
                %dma_start3A_307 = arith.constant 0 : i32
                %dma_start3A_308 = arith.constant 0 : i32
                %dma_start3A_309 = tpu.memref_slice %arg3[%dma_start3A_307, %dma_start3A_308] : memref<82944x16xf32, #tpu.memory_space<hbm>> -> memref<82944x16xf32, #tpu.memory_space<hbm>>
                tpu.enqueue_indirect_dma source(%dma_start3A_309 : memref<82944x16xf32, #tpu.memory_space<hbm>>) target(%dma_start3A_304 : memref<128x16xf32, #tpu.memory_space<vmem>>) offsets(%dma_start3A_306 : memref<128xi32, #tpu.memory_space<vmem>>) semaphore(%arg25 : memref<!tpu.dma_semaphore, #tpu.memory_space<semaphore_mem>>)
              } else {
              }
              %gt3A_233 = arith.constant 4 : i32
              %gt3A_234 = arith.cmpi sgt, %shift_right_arithmetic3A_200, %gt3A_233 : i32
              %convert_element_type3A_235 = arith.extui %gt3A_234 : i1 to i32
              %cond3A_236 = arith.constant 0 : i32
              %cond3A_237 = arith.cmpi ne, %convert_element_type3A_235, %cond3A_236 : i32
              scf.if %cond3A_237 {
                %dma_start3A = arith.constant 512 : i32
                %dma_start3A_303 = arith.constant 0 : i32
                %dma_start3A_304 = tpu.memref_slice %arg13[%dma_start3A, %dma_start3A_303] : memref<1024x16xf32, #tpu.memory_space<vmem>> -> memref<128x16xf32, #tpu.memory_space<vmem>>
                %dma_start3A_305 = arith.constant 512 : i32
                %dma_start3A_306 = tpu.memref_slice %arg12[%dma_start3A_305] : memref<1024xi32, #tpu.memory_space<vmem>> -> memref<128xi32, #tpu.memory_space<vmem>>
                %dma_start3A_307 = arith.constant 0 : i32
                %dma_start3A_308 = arith.constant 0 : i32
                %dma_start3A_309 = tpu.memref_slice %arg3[%dma_start3A_307, %dma_start3A_308] : memref<82944x16xf32, #tpu.memory_space<hbm>> -> memref<82944x16xf32, #tpu.memory_space<hbm>>
                tpu.enqueue_indirect_dma source(%dma_start3A_309 : memref<82944x16xf32, #tpu.memory_space<hbm>>) target(%dma_start3A_304 : memref<128x16xf32, #tpu.memory_space<vmem>>) offsets(%dma_start3A_306 : memref<128xi32, #tpu.memory_space<vmem>>) semaphore(%arg25 : memref<!tpu.dma_semaphore, #tpu.memory_space<semaphore_mem>>)
              } else {
              }
              %gt3A_238 = arith.constant 5 : i32
              %gt3A_239 = arith.cmpi sgt, %shift_right_arithmetic3A_200, %gt3A_238 : i32
              %convert_element_type3A_240 = arith.extui %gt3A_239 : i1 to i32
              %cond3A_241 = arith.constant 0 : i32
              %cond3A_242 = arith.cmpi ne, %convert_element_type3A_240, %cond3A_241 : i32
              scf.if %cond3A_242 {
                %dma_start3A = arith.constant 640 : i32
                %dma_start3A_303 = arith.constant 0 : i32
                %dma_start3A_304 = tpu.memref_slice %arg13[%dma_start3A, %dma_start3A_303] : memref<1024x16xf32, #tpu.memory_space<vmem>> -> memref<128x16xf32, #tpu.memory_space<vmem>>
                %dma_start3A_305 = arith.constant 640 : i32
                %dma_start3A_306 = tpu.memref_slice %arg12[%dma_start3A_305] : memref<1024xi32, #tpu.memory_space<vmem>> -> memref<128xi32, #tpu.memory_space<vmem>>
                %dma_start3A_307 = arith.constant 0 : i32
                %dma_start3A_308 = arith.constant 0 : i32
                %dma_start3A_309 = tpu.memref_slice %arg3[%dma_start3A_307, %dma_start3A_308] : memref<82944x16xf32, #tpu.memory_space<hbm>> -> memref<82944x16xf32, #tpu.memory_space<hbm>>
                tpu.enqueue_indirect_dma source(%dma_start3A_309 : memref<82944x16xf32, #tpu.memory_space<hbm>>) target(%dma_start3A_304 : memref<128x16xf32, #tpu.memory_space<vmem>>) offsets(%dma_start3A_306 : memref<128xi32, #tpu.memory_space<vmem>>) semaphore(%arg25 : memref<!tpu.dma_semaphore, #tpu.memory_space<semaphore_mem>>)
              } else {
              }
              %gt3A_243 = arith.constant 6 : i32
              %gt3A_244 = arith.cmpi sgt, %shift_right_arithmetic3A_200, %gt3A_243 : i32
              %convert_element_type3A_245 = arith.extui %gt3A_244 : i1 to i32
              %cond3A_246 = arith.constant 0 : i32
              %cond3A_247 = arith.cmpi ne, %convert_element_type3A_245, %cond3A_246 : i32
              scf.if %cond3A_247 {
                %dma_start3A = arith.constant 768 : i32
                %dma_start3A_303 = arith.constant 0 : i32
                %dma_start3A_304 = tpu.memref_slice %arg13[%dma_start3A, %dma_start3A_303] : memref<1024x16xf32, #tpu.memory_space<vmem>> -> memref<128x16xf32, #tpu.memory_space<vmem>>
                %dma_start3A_305 = arith.constant 768 : i32
                %dma_start3A_306 = tpu.memref_slice %arg12[%dma_start3A_305] : memref<1024xi32, #tpu.memory_space<vmem>> -> memref<128xi32, #tpu.memory_space<vmem>>
                %dma_start3A_307 = arith.constant 0 : i32
                %dma_start3A_308 = arith.constant 0 : i32
                %dma_start3A_309 = tpu.memref_slice %arg3[%dma_start3A_307, %dma_start3A_308] : memref<82944x16xf32, #tpu.memory_space<hbm>> -> memref<82944x16xf32, #tpu.memory_space<hbm>>
                tpu.enqueue_indirect_dma source(%dma_start3A_309 : memref<82944x16xf32, #tpu.memory_space<hbm>>) target(%dma_start3A_304 : memref<128x16xf32, #tpu.memory_space<vmem>>) offsets(%dma_start3A_306 : memref<128xi32, #tpu.memory_space<vmem>>) semaphore(%arg25 : memref<!tpu.dma_semaphore, #tpu.memory_space<semaphore_mem>>)
              } else {
              }
              %gt3A_248 = arith.constant 7 : i32
              %gt3A_249 = arith.cmpi sgt, %shift_right_arithmetic3A_200, %gt3A_248 : i32
              %convert_element_type3A_250 = arith.extui %gt3A_249 : i1 to i32
              %cond3A_251 = arith.constant 0 : i32
              %cond3A_252 = arith.cmpi ne, %convert_element_type3A_250, %cond3A_251 : i32
              scf.if %cond3A_252 {
                %dma_start3A = arith.constant 896 : i32
                %dma_start3A_303 = arith.constant 0 : i32
                %dma_start3A_304 = tpu.memref_slice %arg13[%dma_start3A, %dma_start3A_303] : memref<1024x16xf32, #tpu.memory_space<vmem>> -> memref<128x16xf32, #tpu.memory_space<vmem>>
                %dma_start3A_305 = arith.constant 896 : i32
                %dma_start3A_306 = tpu.memref_slice %arg12[%dma_start3A_305] : memref<1024xi32, #tpu.memory_space<vmem>> -> memref<128xi32, #tpu.memory_space<vmem>>
                %dma_start3A_307 = arith.constant 0 : i32
                %dma_start3A_308 = arith.constant 0 : i32
                %dma_start3A_309 = tpu.memref_slice %arg3[%dma_start3A_307, %dma_start3A_308] : memref<82944x16xf32, #tpu.memory_space<hbm>> -> memref<82944x16xf32, #tpu.memory_space<hbm>>
                tpu.enqueue_indirect_dma source(%dma_start3A_309 : memref<82944x16xf32, #tpu.memory_space<hbm>>) target(%dma_start3A_304 : memref<128x16xf32, #tpu.memory_space<vmem>>) offsets(%dma_start3A_306 : memref<128xi32, #tpu.memory_space<vmem>>) semaphore(%arg25 : memref<!tpu.dma_semaphore, #tpu.memory_space<semaphore_mem>>)
              } else {
              }
              %gt3A_253 = arith.constant 0 : i32
              %gt3A_254 = arith.cmpi sgt, %shift_right_arithmetic3A_200, %gt3A_253 : i32
              %convert_element_type3A_255 = arith.extui %gt3A_254 : i1 to i32
              %cond3A_256 = arith.constant 0 : i32
              %cond3A_257 = arith.cmpi ne, %convert_element_type3A_255, %cond3A_256 : i32
              scf.if %cond3A_257 {
                %dma_wait3A = arith.constant 0 : i32
                %dma_wait3A_303 = arith.constant 0 : i32
                %dma_wait3A_304 = tpu.memref_slice %arg13[%dma_wait3A, %dma_wait3A_303] : memref<1024x16xf32, #tpu.memory_space<vmem>> -> memref<128x16xf32, #tpu.memory_space<vmem>>
                %dma_wait3A_305 = arith.constant 0 : i32
                %dma_wait3A_306 = tpu.memref_slice %arg12[%dma_wait3A_305] : memref<1024xi32, #tpu.memory_space<vmem>> -> memref<128xi32, #tpu.memory_space<vmem>>
                %dma_wait3A_307 = arith.constant 0 : i32
                %dma_wait3A_308 = arith.constant 0 : i32
                %dma_wait3A_309 = tpu.memref_slice %arg3[%dma_wait3A_307, %dma_wait3A_308] : memref<82944x16xf32, #tpu.memory_space<hbm>> -> memref<82944x16xf32, #tpu.memory_space<hbm>>
                tpu.wait_indirect_dma semaphore(%arg25 : memref<!tpu.dma_semaphore, #tpu.memory_space<semaphore_mem>>) src(%dma_wait3A_309 : memref<82944x16xf32, #tpu.memory_space<hbm>>) dst(%dma_wait3A_304 : memref<128x16xf32, #tpu.memory_space<vmem>>)
              } else {
              }
              %gt3A_258 = arith.constant 1 : i32
              %gt3A_259 = arith.cmpi sgt, %shift_right_arithmetic3A_200, %gt3A_258 : i32
              %convert_element_type3A_260 = arith.extui %gt3A_259 : i1 to i32
              %cond3A_261 = arith.constant 0 : i32
              %cond3A_262 = arith.cmpi ne, %convert_element_type3A_260, %cond3A_261 : i32
              scf.if %cond3A_262 {
                %dma_wait3A = arith.constant 128 : i32
                %dma_wait3A_303 = arith.constant 0 : i32
                %dma_wait3A_304 = tpu.memref_slice %arg13[%dma_wait3A, %dma_wait3A_303] : memref<1024x16xf32, #tpu.memory_space<vmem>> -> memref<128x16xf32, #tpu.memory_space<vmem>>
                %dma_wait3A_305 = arith.constant 128 : i32
                %dma_wait3A_306 = tpu.memref_slice %arg12[%dma_wait3A_305] : memref<1024xi32, #tpu.memory_space<vmem>> -> memref<128xi32, #tpu.memory_space<vmem>>
                %dma_wait3A_307 = arith.constant 0 : i32
                %dma_wait3A_308 = arith.constant 0 : i32
                %dma_wait3A_309 = tpu.memref_slice %arg3[%dma_wait3A_307, %dma_wait3A_308] : memref<82944x16xf32, #tpu.memory_space<hbm>> -> memref<82944x16xf32, #tpu.memory_space<hbm>>
                tpu.wait_indirect_dma semaphore(%arg25 : memref<!tpu.dma_semaphore, #tpu.memory_space<semaphore_mem>>) src(%dma_wait3A_309 : memref<82944x16xf32, #tpu.memory_space<hbm>>) dst(%dma_wait3A_304 : memref<128x16xf32, #tpu.memory_space<vmem>>)
              } else {
              }
              %gt3A_263 = arith.constant 2 : i32
              %gt3A_264 = arith.cmpi sgt, %shift_right_arithmetic3A_200, %gt3A_263 : i32
              %convert_element_type3A_265 = arith.extui %gt3A_264 : i1 to i32
              %cond3A_266 = arith.constant 0 : i32
              %cond3A_267 = arith.cmpi ne, %convert_element_type3A_265, %cond3A_266 : i32
              scf.if %cond3A_267 {
                %dma_wait3A = arith.constant 256 : i32
                %dma_wait3A_303 = arith.constant 0 : i32
                %dma_wait3A_304 = tpu.memref_slice %arg13[%dma_wait3A, %dma_wait3A_303] : memref<1024x16xf32, #tpu.memory_space<vmem>> -> memref<128x16xf32, #tpu.memory_space<vmem>>
                %dma_wait3A_305 = arith.constant 256 : i32
                %dma_wait3A_306 = tpu.memref_slice %arg12[%dma_wait3A_305] : memref<1024xi32, #tpu.memory_space<vmem>> -> memref<128xi32, #tpu.memory_space<vmem>>
                %dma_wait3A_307 = arith.constant 0 : i32
                %dma_wait3A_308 = arith.constant 0 : i32
                %dma_wait3A_309 = tpu.memref_slice %arg3[%dma_wait3A_307, %dma_wait3A_308] : memref<82944x16xf32, #tpu.memory_space<hbm>> -> memref<82944x16xf32, #tpu.memory_space<hbm>>
                tpu.wait_indirect_dma semaphore(%arg25 : memref<!tpu.dma_semaphore, #tpu.memory_space<semaphore_mem>>) src(%dma_wait3A_309 : memref<82944x16xf32, #tpu.memory_space<hbm>>) dst(%dma_wait3A_304 : memref<128x16xf32, #tpu.memory_space<vmem>>)
              } else {
              }
              %gt3A_268 = arith.constant 3 : i32
              %gt3A_269 = arith.cmpi sgt, %shift_right_arithmetic3A_200, %gt3A_268 : i32
              %convert_element_type3A_270 = arith.extui %gt3A_269 : i1 to i32
              %cond3A_271 = arith.constant 0 : i32
              %cond3A_272 = arith.cmpi ne, %convert_element_type3A_270, %cond3A_271 : i32
              scf.if %cond3A_272 {
                %dma_wait3A = arith.constant 384 : i32
                %dma_wait3A_303 = arith.constant 0 : i32
                %dma_wait3A_304 = tpu.memref_slice %arg13[%dma_wait3A, %dma_wait3A_303] : memref<1024x16xf32, #tpu.memory_space<vmem>> -> memref<128x16xf32, #tpu.memory_space<vmem>>
                %dma_wait3A_305 = arith.constant 384 : i32
                %dma_wait3A_306 = tpu.memref_slice %arg12[%dma_wait3A_305] : memref<1024xi32, #tpu.memory_space<vmem>> -> memref<128xi32, #tpu.memory_space<vmem>>
                %dma_wait3A_307 = arith.constant 0 : i32
                %dma_wait3A_308 = arith.constant 0 : i32
                %dma_wait3A_309 = tpu.memref_slice %arg3[%dma_wait3A_307, %dma_wait3A_308] : memref<82944x16xf32, #tpu.memory_space<hbm>> -> memref<82944x16xf32, #tpu.memory_space<hbm>>
                tpu.wait_indirect_dma semaphore(%arg25 : memref<!tpu.dma_semaphore, #tpu.memory_space<semaphore_mem>>) src(%dma_wait3A_309 : memref<82944x16xf32, #tpu.memory_space<hbm>>) dst(%dma_wait3A_304 : memref<128x16xf32, #tpu.memory_space<vmem>>)
              } else {
              }
              %gt3A_273 = arith.constant 4 : i32
              %gt3A_274 = arith.cmpi sgt, %shift_right_arithmetic3A_200, %gt3A_273 : i32
              %convert_element_type3A_275 = arith.extui %gt3A_274 : i1 to i32
              %cond3A_276 = arith.constant 0 : i32
              %cond3A_277 = arith.cmpi ne, %convert_element_type3A_275, %cond3A_276 : i32
              scf.if %cond3A_277 {
                %dma_wait3A = arith.constant 512 : i32
                %dma_wait3A_303 = arith.constant 0 : i32
                %dma_wait3A_304 = tpu.memref_slice %arg13[%dma_wait3A, %dma_wait3A_303] : memref<1024x16xf32, #tpu.memory_space<vmem>> -> memref<128x16xf32, #tpu.memory_space<vmem>>
                %dma_wait3A_305 = arith.constant 512 : i32
                %dma_wait3A_306 = tpu.memref_slice %arg12[%dma_wait3A_305] : memref<1024xi32, #tpu.memory_space<vmem>> -> memref<128xi32, #tpu.memory_space<vmem>>
                %dma_wait3A_307 = arith.constant 0 : i32
                %dma_wait3A_308 = arith.constant 0 : i32
                %dma_wait3A_309 = tpu.memref_slice %arg3[%dma_wait3A_307, %dma_wait3A_308] : memref<82944x16xf32, #tpu.memory_space<hbm>> -> memref<82944x16xf32, #tpu.memory_space<hbm>>
                tpu.wait_indirect_dma semaphore(%arg25 : memref<!tpu.dma_semaphore, #tpu.memory_space<semaphore_mem>>) src(%dma_wait3A_309 : memref<82944x16xf32, #tpu.memory_space<hbm>>) dst(%dma_wait3A_304 : memref<128x16xf32, #tpu.memory_space<vmem>>)
              } else {
              }
              %gt3A_278 = arith.constant 5 : i32
              %gt3A_279 = arith.cmpi sgt, %shift_right_arithmetic3A_200, %gt3A_278 : i32
              %convert_element_type3A_280 = arith.extui %gt3A_279 : i1 to i32
              %cond3A_281 = arith.constant 0 : i32
              %cond3A_282 = arith.cmpi ne, %convert_element_type3A_280, %cond3A_281 : i32
              scf.if %cond3A_282 {
                %dma_wait3A = arith.constant 640 : i32
                %dma_wait3A_303 = arith.constant 0 : i32
                %dma_wait3A_304 = tpu.memref_slice %arg13[%dma_wait3A, %dma_wait3A_303] : memref<1024x16xf32, #tpu.memory_space<vmem>> -> memref<128x16xf32, #tpu.memory_space<vmem>>
                %dma_wait3A_305 = arith.constant 640 : i32
                %dma_wait3A_306 = tpu.memref_slice %arg12[%dma_wait3A_305] : memref<1024xi32, #tpu.memory_space<vmem>> -> memref<128xi32, #tpu.memory_space<vmem>>
                %dma_wait3A_307 = arith.constant 0 : i32
                %dma_wait3A_308 = arith.constant 0 : i32
                %dma_wait3A_309 = tpu.memref_slice %arg3[%dma_wait3A_307, %dma_wait3A_308] : memref<82944x16xf32, #tpu.memory_space<hbm>> -> memref<82944x16xf32, #tpu.memory_space<hbm>>
                tpu.wait_indirect_dma semaphore(%arg25 : memref<!tpu.dma_semaphore, #tpu.memory_space<semaphore_mem>>) src(%dma_wait3A_309 : memref<82944x16xf32, #tpu.memory_space<hbm>>) dst(%dma_wait3A_304 : memref<128x16xf32, #tpu.memory_space<vmem>>)
              } else {
              }
              %gt3A_283 = arith.constant 6 : i32
              %gt3A_284 = arith.cmpi sgt, %shift_right_arithmetic3A_200, %gt3A_283 : i32
              %convert_element_type3A_285 = arith.extui %gt3A_284 : i1 to i32
              %cond3A_286 = arith.constant 0 : i32
              %cond3A_287 = arith.cmpi ne, %convert_element_type3A_285, %cond3A_286 : i32
              scf.if %cond3A_287 {
                %dma_wait3A = arith.constant 768 : i32
                %dma_wait3A_303 = arith.constant 0 : i32
                %dma_wait3A_304 = tpu.memref_slice %arg13[%dma_wait3A, %dma_wait3A_303] : memref<1024x16xf32, #tpu.memory_space<vmem>> -> memref<128x16xf32, #tpu.memory_space<vmem>>
                %dma_wait3A_305 = arith.constant 768 : i32
                %dma_wait3A_306 = tpu.memref_slice %arg12[%dma_wait3A_305] : memref<1024xi32, #tpu.memory_space<vmem>> -> memref<128xi32, #tpu.memory_space<vmem>>
                %dma_wait3A_307 = arith.constant 0 : i32
                %dma_wait3A_308 = arith.constant 0 : i32
                %dma_wait3A_309 = tpu.memref_slice %arg3[%dma_wait3A_307, %dma_wait3A_308] : memref<82944x16xf32, #tpu.memory_space<hbm>> -> memref<82944x16xf32, #tpu.memory_space<hbm>>
                tpu.wait_indirect_dma semaphore(%arg25 : memref<!tpu.dma_semaphore, #tpu.memory_space<semaphore_mem>>) src(%dma_wait3A_309 : memref<82944x16xf32, #tpu.memory_space<hbm>>) dst(%dma_wait3A_304 : memref<128x16xf32, #tpu.memory_space<vmem>>)
              } else {
              }
              %gt3A_288 = arith.constant 7 : i32
              %gt3A_289 = arith.cmpi sgt, %shift_right_arithmetic3A_200, %gt3A_288 : i32
              %convert_element_type3A_290 = arith.extui %gt3A_289 : i1 to i32
              %cond3A_291 = arith.constant 0 : i32
              %cond3A_292 = arith.cmpi ne, %convert_element_type3A_290, %cond3A_291 : i32
              scf.if %cond3A_292 {
                %dma_wait3A = arith.constant 896 : i32
                %dma_wait3A_303 = arith.constant 0 : i32
                %dma_wait3A_304 = tpu.memref_slice %arg13[%dma_wait3A, %dma_wait3A_303] : memref<1024x16xf32, #tpu.memory_space<vmem>> -> memref<128x16xf32, #tpu.memory_space<vmem>>
                %dma_wait3A_305 = arith.constant 896 : i32
                %dma_wait3A_306 = tpu.memref_slice %arg12[%dma_wait3A_305] : memref<1024xi32, #tpu.memory_space<vmem>> -> memref<128xi32, #tpu.memory_space<vmem>>
                %dma_wait3A_307 = arith.constant 0 : i32
                %dma_wait3A_308 = arith.constant 0 : i32
                %dma_wait3A_309 = tpu.memref_slice %arg3[%dma_wait3A_307, %dma_wait3A_308] : memref<82944x16xf32, #tpu.memory_space<hbm>> -> memref<82944x16xf32, #tpu.memory_space<hbm>>
                tpu.wait_indirect_dma semaphore(%arg25 : memref<!tpu.dma_semaphore, #tpu.memory_space<semaphore_mem>>) src(%dma_wait3A_309 : memref<82944x16xf32, #tpu.memory_space<hbm>>) dst(%dma_wait3A_304 : memref<128x16xf32, #tpu.memory_space<vmem>>)
              } else {
              }
              %while3A_293 = arith.constant 0 : i32
              %while3A_294 = arith.constant 0 : i32
              %while3A_295 = arith.subi %shift_right_arithmetic3A_196, %while3A_294 : i32
              %while3A_296 = arith.addi %while3A_294, %while3A_295 : i32
              %while3A_297 = arith.constant 1 : i32
              %while3A_298 = arith.divsi %while3A_295, %while3A_297 : i32
              %while3A_299 = arith.muli %while3A_298, %while3A_297 : i32
              %while3A_300 = arith.addi %while3A_294, %while3A_299 : i32
              %while3A_301 = arith.constant 1 : i32
              scf.for %while3A_303 = %while3A_294 to %while3A_300 step %while3A_301  : i32 {
                %mul3A_304 = arith.constant 16 : i32
                %mul3A_305 = arith.muli %while3A_303, %mul3A_304 : i32
                %add3A_306 = vector.broadcast %mul3A_305 : i32 to vector<16xi32>
                %add3A_307 = arith.addi %add3A_306, %iota3A : vector<16xi32>
                %gather3A_308 = tpu.vector_load_idx %arg13[%add3A_307, %broadcast_in_dim3A_11] : memref<1024x16xf32, #tpu.memory_space<vmem>>[vector<16xi32>, vector<16xi32>], vector<16xf32>,
                %gather3A_309 = tpu.vector_load_idx %arg13[%add3A_307, %broadcast_in_dim3A_13] : memref<1024x16xf32, #tpu.memory_space<vmem>>[vector<16xi32>, vector<16xi32>], vector<16xf32>,
                %gather3A_310 = tpu.vector_load_idx %arg13[%add3A_307, %broadcast_in_dim3A_15] : memref<1024x16xf32, #tpu.memory_space<vmem>>[vector<16xi32>, vector<16xi32>], vector<16xf32>,
                %gather3A_311 = tpu.vector_load_idx %arg13[%add3A_307, %broadcast_in_dim3A_17] : memref<1024x16xf32, #tpu.memory_space<vmem>>[vector<16xi32>, vector<16xi32>], vector<16xf32>,
                %gather3A_312 = tpu.vector_load_idx %arg13[%add3A_307, %broadcast_in_dim3A_19] : memref<1024x16xf32, #tpu.memory_space<vmem>>[vector<16xi32>, vector<16xi32>], vector<16xf32>,
                %gather3A_313 = tpu.vector_load_idx %arg13[%add3A_307, %broadcast_in_dim3A_21] : memref<1024x16xf32, #tpu.memory_space<vmem>>[vector<16xi32>, vector<16xi32>], vector<16xf32>,
                %gather3A_314 = tpu.vector_load_idx %arg13[%add3A_307, %broadcast_in_dim3A_23] : memref<1024x16xf32, #tpu.memory_space<vmem>>[vector<16xi32>, vector<16xi32>], vector<16xf32>,
                %gather3A_315 = tpu.vector_load_idx %arg13[%add3A_307, %broadcast_in_dim3A_25] : memref<1024x16xf32, #tpu.memory_space<vmem>>[vector<16xi32>, vector<16xi32>], vector<16xf32>,
                %mul3A_316 = arith.constant 2.000000e-01 : f32
                %mul3A_317 = vector.broadcast %mul3A_316 : f32 to vector<16xf32>
                %mul3A_318 = arith.mulf %gather3A_310, %mul3A_317 : vector<16xf32>
                %exp3A = math.exp %mul3A_318 : vector<16xf32>
                %mul3A_319 = arith.mulf %exp3A, %gather3A_312 : vector<16xf32>
                %mul3A_320 = arith.constant 2.000000e-01 : f32
                %mul3A_321 = vector.broadcast %mul3A_320 : f32 to vector<16xf32>
                %mul3A_322 = arith.mulf %gather3A_311, %mul3A_321 : vector<16xf32>
                %exp3A_323 = math.exp %mul3A_322 : vector<16xf32>
                %mul3A_324 = arith.mulf %exp3A_323, %gather3A_313 : vector<16xf32>
                %mul3A_325 = arith.constant 1.000000e-01 : f32
                %mul3A_326 = vector.broadcast %mul3A_325 : f32 to vector<16xf32>
                %mul3A_327 = arith.mulf %gather3A_308, %mul3A_326 : vector<16xf32>
                %mul3A_328 = arith.mulf %mul3A_327, %gather3A_312 : vector<16xf32>
                %add3A_329 = arith.addf %mul3A_328, %gather3A_314 : vector<16xf32>
                %mul3A_330 = arith.constant 1.000000e-01 : f32
                %mul3A_331 = vector.broadcast %mul3A_330 : f32 to vector<16xf32>
                %mul3A_332 = arith.mulf %gather3A_309, %mul3A_331 : vector<16xf32>
                %mul3A_333 = arith.mulf %mul3A_332, %gather3A_313 : vector<16xf32>
                %add3A_334 = arith.addf %mul3A_333, %gather3A_315 : vector<16xf32>
                %mul3A_335 = arith.constant 5.000000e-01 : f32
                %mul3A_336 = vector.broadcast %mul3A_335 : f32 to vector<16xf32>
                %mul3A_337 = arith.mulf %mul3A_336, %mul3A_319 : vector<16xf32>
                %sub3A_338 = arith.subf %add3A_329, %mul3A_337 : vector<16xf32>
                %mul3A_339 = arith.constant 5.000000e-01 : f32
                %mul3A_340 = vector.broadcast %mul3A_339 : f32 to vector<16xf32>
                %mul3A_341 = arith.mulf %mul3A_340, %mul3A_324 : vector<16xf32>
                %sub3A_342 = arith.subf %add3A_334, %mul3A_341 : vector<16xf32>
                %add3A_343 = arith.addf %sub3A_338, %mul3A_319 : vector<16xf32>
                %add3A_344 = arith.addf %sub3A_342, %mul3A_324 : vector<16xf32>
                tpu.vector_store_idx %arg14[%add3A_307], %sub3A_338 : memref<1024xf32, #tpu.memory_space<vmem>>[vector<16xi32>], vector<16xf32>,
                tpu.vector_store_idx %arg15[%add3A_307], %sub3A_342 : memref<1024xf32, #tpu.memory_space<vmem>>[vector<16xi32>], vector<16xf32>,
                tpu.vector_store_idx %arg16[%add3A_307], %add3A_343 : memref<1024xf32, #tpu.memory_space<vmem>>[vector<16xi32>], vector<16xf32>,
                tpu.vector_store_idx %arg17[%add3A_307], %add3A_344 : memref<1024xf32, #tpu.memory_space<vmem>>[vector<16xi32>], vector<16xf32>,
                %sub3A_345 = arith.subf %add3A_343, %sub3A_338 : vector<16xf32>
                %max3A = arith.constant 0.000000e+00 : f32
                %max3A_346 = vector.broadcast %max3A : f32 to vector<16xf32>
                %max3A_347 = arith.maximumf %sub3A_345, %max3A_346 : vector<16xf32>
                %sub3A_348 = arith.subf %add3A_344, %sub3A_342 : vector<16xf32>
                %max3A_349 = arith.constant 0.000000e+00 : f32
                %max3A_350 = vector.broadcast %max3A_349 : f32 to vector<16xf32>
                %max3A_351 = arith.maximumf %sub3A_348, %max3A_350 : vector<16xf32>
                %mul3A_352 = arith.mulf %max3A_347, %max3A_351 : vector<16xf32>
                tpu.vector_store_idx %arg18[%add3A_307], %mul3A_352 : memref<1024xf32, #tpu.memory_space<vmem>>[vector<16xi32>], vector<16xf32>,
              }
              %while3A_302 = arith.constant 1 : i32
              scf.for %while3A_303 = %while3A_300 to %while3A_296 step %while3A_302  : i32 {
                %mul3A_304 = arith.constant 16 : i32
                %mul3A_305 = arith.muli %while3A_303, %mul3A_304 : i32
                %add3A_306 = vector.broadcast %mul3A_305 : i32 to vector<16xi32>
                %add3A_307 = arith.addi %add3A_306, %iota3A : vector<16xi32>
                %gather3A_308 = tpu.vector_load_idx %arg13[%add3A_307, %broadcast_in_dim3A_11] : memref<1024x16xf32, #tpu.memory_space<vmem>>[vector<16xi32>, vector<16xi32>], vector<16xf32>,
                %gather3A_309 = tpu.vector_load_idx %arg13[%add3A_307, %broadcast_in_dim3A_13] : memref<1024x16xf32, #tpu.memory_space<vmem>>[vector<16xi32>, vector<16xi32>], vector<16xf32>,
                %gather3A_310 = tpu.vector_load_idx %arg13[%add3A_307, %broadcast_in_dim3A_15] : memref<1024x16xf32, #tpu.memory_space<vmem>>[vector<16xi32>, vector<16xi32>], vector<16xf32>,
                %gather3A_311 = tpu.vector_load_idx %arg13[%add3A_307, %broadcast_in_dim3A_17] : memref<1024x16xf32, #tpu.memory_space<vmem>>[vector<16xi32>, vector<16xi32>], vector<16xf32>,
                %gather3A_312 = tpu.vector_load_idx %arg13[%add3A_307, %broadcast_in_dim3A_19] : memref<1024x16xf32, #tpu.memory_space<vmem>>[vector<16xi32>, vector<16xi32>], vector<16xf32>,
                %gather3A_313 = tpu.vector_load_idx %arg13[%add3A_307, %broadcast_in_dim3A_21] : memref<1024x16xf32, #tpu.memory_space<vmem>>[vector<16xi32>, vector<16xi32>], vector<16xf32>,
                %gather3A_314 = tpu.vector_load_idx %arg13[%add3A_307, %broadcast_in_dim3A_23] : memref<1024x16xf32, #tpu.memory_space<vmem>>[vector<16xi32>, vector<16xi32>], vector<16xf32>,
                %gather3A_315 = tpu.vector_load_idx %arg13[%add3A_307, %broadcast_in_dim3A_25] : memref<1024x16xf32, #tpu.memory_space<vmem>>[vector<16xi32>, vector<16xi32>], vector<16xf32>,
                %mul3A_316 = arith.constant 2.000000e-01 : f32
                %mul3A_317 = vector.broadcast %mul3A_316 : f32 to vector<16xf32>
                %mul3A_318 = arith.mulf %gather3A_310, %mul3A_317 : vector<16xf32>
                %exp3A = math.exp %mul3A_318 : vector<16xf32>
                %mul3A_319 = arith.mulf %exp3A, %gather3A_312 : vector<16xf32>
                %mul3A_320 = arith.constant 2.000000e-01 : f32
                %mul3A_321 = vector.broadcast %mul3A_320 : f32 to vector<16xf32>
                %mul3A_322 = arith.mulf %gather3A_311, %mul3A_321 : vector<16xf32>
                %exp3A_323 = math.exp %mul3A_322 : vector<16xf32>
                %mul3A_324 = arith.mulf %exp3A_323, %gather3A_313 : vector<16xf32>
                %mul3A_325 = arith.constant 1.000000e-01 : f32
                %mul3A_326 = vector.broadcast %mul3A_325 : f32 to vector<16xf32>
                %mul3A_327 = arith.mulf %gather3A_308, %mul3A_326 : vector<16xf32>
                %mul3A_328 = arith.mulf %mul3A_327, %gather3A_312 : vector<16xf32>
                %add3A_329 = arith.addf %mul3A_328, %gather3A_314 : vector<16xf32>
                %mul3A_330 = arith.constant 1.000000e-01 : f32
                %mul3A_331 = vector.broadcast %mul3A_330 : f32 to vector<16xf32>
                %mul3A_332 = arith.mulf %gather3A_309, %mul3A_331 : vector<16xf32>
                %mul3A_333 = arith.mulf %mul3A_332, %gather3A_313 : vector<16xf32>
                %add3A_334 = arith.addf %mul3A_333, %gather3A_315 : vector<16xf32>
                %mul3A_335 = arith.constant 5.000000e-01 : f32
                %mul3A_336 = vector.broadcast %mul3A_335 : f32 to vector<16xf32>
                %mul3A_337 = arith.mulf %mul3A_336, %mul3A_319 : vector<16xf32>
                %sub3A_338 = arith.subf %add3A_329, %mul3A_337 : vector<16xf32>
                %mul3A_339 = arith.constant 5.000000e-01 : f32
                %mul3A_340 = vector.broadcast %mul3A_339 : f32 to vector<16xf32>
                %mul3A_341 = arith.mulf %mul3A_340, %mul3A_324 : vector<16xf32>
                %sub3A_342 = arith.subf %add3A_334, %mul3A_341 : vector<16xf32>
                %add3A_343 = arith.addf %sub3A_338, %mul3A_319 : vector<16xf32>
                %add3A_344 = arith.addf %sub3A_342, %mul3A_324 : vector<16xf32>
                tpu.vector_store_idx %arg14[%add3A_307], %sub3A_338 : memref<1024xf32, #tpu.memory_space<vmem>>[vector<16xi32>], vector<16xf32>,
                tpu.vector_store_idx %arg15[%add3A_307], %sub3A_342 : memref<1024xf32, #tpu.memory_space<vmem>>[vector<16xi32>], vector<16xf32>,
                tpu.vector_store_idx %arg16[%add3A_307], %add3A_343 : memref<1024xf32, #tpu.memory_space<vmem>>[vector<16xi32>], vector<16xf32>,
                tpu.vector_store_idx %arg17[%add3A_307], %add3A_344 : memref<1024xf32, #tpu.memory_space<vmem>>[vector<16xi32>], vector<16xf32>,
                %sub3A_345 = arith.subf %add3A_343, %sub3A_338 : vector<16xf32>
                %max3A = arith.constant 0.000000e+00 : f32
                %max3A_346 = vector.broadcast %max3A : f32 to vector<16xf32>
                %max3A_347 = arith.maximumf %sub3A_345, %max3A_346 : vector<16xf32>
                %sub3A_348 = arith.subf %add3A_344, %sub3A_342 : vector<16xf32>
                %max3A_349 = arith.constant 0.000000e+00 : f32
                %max3A_350 = vector.broadcast %max3A_349 : f32 to vector<16xf32>
                %max3A_351 = arith.maximumf %sub3A_348, %max3A_350 : vector<16xf32>
                %mul3A_352 = arith.mulf %max3A_347, %max3A_351 : vector<16xf32>
                tpu.vector_store_idx %arg18[%add3A_307], %mul3A_352 : memref<1024xf32, #tpu.memory_space<vmem>>[vector<16xi32>], vector<16xf32>,
              }
            } else {
            }
            %and3A_122 = arith.constant 1023 : i32
            %and3A_123 = arith.andi %and3A_112, %and3A_122 : i32
            %broadcast_in_dim3A_124 = vector.broadcast %and3A_123 : i32 to vector<16xi32>
            %gather3A_125 = tpu.vector_load_idx %arg14[%broadcast_in_dim3A_124] : memref<1024xf32, #tpu.memory_space<vmem>>[vector<16xi32>], vector<16xf32>,
            %slice3A_126 = vector.extract_strided_slice %gather3A_125 {offsets = [0], sizes = [1], strides = [1]} : vector<16xf32> to vector<1xf32>
            %squeeze3A_127 = vector.extract %slice3A_126[0] : f32 from vector<1xf32>
            %broadcast_in_dim3A_128 = vector.broadcast %and3A_123 : i32 to vector<16xi32>
            %gather3A_129 = tpu.vector_load_idx %arg15[%broadcast_in_dim3A_128] : memref<1024xf32, #tpu.memory_space<vmem>>[vector<16xi32>], vector<16xf32>,
            %slice3A_130 = vector.extract_strided_slice %gather3A_129 {offsets = [0], sizes = [1], strides = [1]} : vector<16xf32> to vector<1xf32>
            %squeeze3A_131 = vector.extract %slice3A_130[0] : f32 from vector<1xf32>
            %broadcast_in_dim3A_132 = vector.broadcast %and3A_123 : i32 to vector<16xi32>
            %gather3A_133 = tpu.vector_load_idx %arg16[%broadcast_in_dim3A_132] : memref<1024xf32, #tpu.memory_space<vmem>>[vector<16xi32>], vector<16xf32>,
            %slice3A_134 = vector.extract_strided_slice %gather3A_133 {offsets = [0], sizes = [1], strides = [1]} : vector<16xf32> to vector<1xf32>
            %squeeze3A_135 = vector.extract %slice3A_134[0] : f32 from vector<1xf32>
            %broadcast_in_dim3A_136 = vector.broadcast %and3A_123 : i32 to vector<16xi32>
            %gather3A_137 = tpu.vector_load_idx %arg17[%broadcast_in_dim3A_136] : memref<1024xf32, #tpu.memory_space<vmem>>[vector<16xi32>], vector<16xf32>,
            %slice3A_138 = vector.extract_strided_slice %gather3A_137 {offsets = [0], sizes = [1], strides = [1]} : vector<16xf32> to vector<1xf32>
            %squeeze3A_139 = vector.extract %slice3A_138[0] : f32 from vector<1xf32>
            %broadcast_in_dim3A_140 = vector.broadcast %and3A_123 : i32 to vector<16xi32>
            %gather3A_141 = tpu.vector_load_idx %arg18[%broadcast_in_dim3A_140] : memref<1024xf32, #tpu.memory_space<vmem>>[vector<16xi32>], vector<16xf32>,
            %slice3A_142 = vector.extract_strided_slice %gather3A_141 {offsets = [0], sizes = [1], strides = [1]} : vector<16xf32> to vector<1xf32>
            %squeeze3A_143 = vector.extract %slice3A_142[0] : f32 from vector<1xf32>
            %add3A_144 = arith.constant 15 : i32
            %add3A_145 = arith.addi %while3A_97, %add3A_144 : i32
            %shift_right_arithmetic3A_146 = arith.constant 4 : i32
            %shift_right_arithmetic3A_147 = arith.shrsi %add3A_145, %shift_right_arithmetic3A_146 : i32
            %broadcast_in_dim3A_148 = vector.broadcast %squeeze3A_127 : f32 to vector<16xf32>
            %broadcast_in_dim3A_149 = vector.broadcast %squeeze3A_131 : f32 to vector<16xf32>
            %broadcast_in_dim3A_150 = vector.broadcast %squeeze3A_135 : f32 to vector<16xf32>
            %broadcast_in_dim3A_151 = vector.broadcast %squeeze3A_139 : f32 to vector<16xf32>
            %broadcast_in_dim3A_152 = vector.broadcast %squeeze3A_143 : f32 to vector<16xf32>
            %add3A_153 = arith.constant 31 : i32
            %add3A_154 = arith.addi %while3A_97, %add3A_153 : i32
            %shift_right_arithmetic3A_155 = arith.constant 5 : i32
            %shift_right_arithmetic3A_156 = arith.shrsi %add3A_154, %shift_right_arithmetic3A_155 : i32
            %while3A_157 = arith.constant 0 : i32
            %while3A_158 = arith.subi %shift_right_arithmetic3A_156, %while3A_157 : i32
            %while3A_159 = arith.addi %while3A_157, %while3A_158 : i32
            %while3A_160 = arith.constant 1 : i32
            %while3A_161 = arith.divsi %while3A_158, %while3A_160 : i32
            %while3A_162 = arith.muli %while3A_161, %while3A_160 : i32
            %while3A_163 = arith.addi %while3A_157, %while3A_162 : i32
            %while3A_164 = arith.constant 1 : i32
            %while3A_165 = scf.for %while3A_188 = %while3A_157 to %while3A_163 step %while3A_164 iter_args(%while3A_189 = %broadcast_in_dim3A_7) -> (vector<16xi32>)  : i32 {
              %mul3A_190 = arith.constant 2 : i32
              %mul3A_191 = arith.muli %while3A_188, %mul3A_190 : i32
              %add3A_192 = arith.constant 0 : i32
              %add3A_193 = arith.addi %mul3A_191, %add3A_192 : i32
              %mul3A_194 = arith.constant 16 : i32
              %mul3A_195 = arith.muli %add3A_193, %mul3A_194 : i32
              %get3A = arith.index_cast %mul3A_195 : i32 to index
              %get3A_196 = tpu.vector_load %arg19[%get3A] {strides = array<i32>} : memref<320xf32, #tpu.memory_space<vmem>>, vector<16xf32>,
              %get3A_197 = arith.index_cast %mul3A_195 : i32 to index
              %get3A_198 = tpu.vector_load %arg20[%get3A_197] {strides = array<i32>} : memref<320xf32, #tpu.memory_space<vmem>>, vector<16xf32>,
              %get3A_199 = arith.index_cast %mul3A_195 : i32 to index
              %get3A_200 = tpu.vector_load %arg21[%get3A_199] {strides = array<i32>} : memref<320xf32, #tpu.memory_space<vmem>>, vector<16xf32>,
              %get3A_201 = arith.index_cast %mul3A_195 : i32 to index
              %get3A_202 = tpu.vector_load %arg22[%get3A_201] {strides = array<i32>} : memref<320xf32, #tpu.memory_space<vmem>>, vector<16xf32>,
              %get3A_203 = arith.index_cast %mul3A_195 : i32 to index
              %get3A_204 = tpu.vector_load %arg23[%get3A_203] {strides = array<i32>} : memref<320xf32, #tpu.memory_space<vmem>>, vector<16xf32>,
              %max3A = arith.maximumf %get3A_196, %broadcast_in_dim3A_148 : vector<16xf32>
              %max3A_205 = arith.maximumf %get3A_198, %broadcast_in_dim3A_149 : vector<16xf32>
              %min3A_206 = arith.minimumf %get3A_200, %broadcast_in_dim3A_150 : vector<16xf32>
              %min3A_207 = arith.minimumf %get3A_202, %broadcast_in_dim3A_151 : vector<16xf32>
              %sub3A_208 = arith.subf %min3A_206, %max3A : vector<16xf32>
              %max3A_209 = arith.constant 0.000000e+00 : f32
              %max3A_210 = vector.broadcast %max3A_209 : f32 to vector<16xf32>
              %max3A_211 = arith.maximumf %sub3A_208, %max3A_210 : vector<16xf32>
              %sub3A_212 = arith.subf %min3A_207, %max3A_205 : vector<16xf32>
              %max3A_213 = arith.constant 0.000000e+00 : f32
              %max3A_214 = vector.broadcast %max3A_213 : f32 to vector<16xf32>
              %max3A_215 = arith.maximumf %sub3A_212, %max3A_214 : vector<16xf32>
              %mul3A_216 = arith.mulf %max3A_211, %max3A_215 : vector<16xf32>
              %add3A_217 = arith.addf %broadcast_in_dim3A_152, %get3A_204 : vector<16xf32>
              %sub3A_218 = arith.subf %add3A_217, %mul3A_216 : vector<16xf32>
              %max3A_219 = arith.constant 9.99999993E-9 : f32
              %max3A_220 = vector.broadcast %max3A_219 : f32 to vector<16xf32>
              %max3A_221 = arith.maximumf %sub3A_218, %max3A_220 : vector<16xf32>
              %div3A = arith.divf %mul3A_216, %max3A_221 : vector<16xf32>
              %gt3A_222 = arith.constant 0.699999988 : f32
              %gt3A_223 = vector.broadcast %gt3A_222 : f32 to vector<16xf32>
              %gt3A_224 = arith.cmpf ogt, %div3A, %gt3A_223 : vector<16xf32>
              %convert_element_type3A_225 = arith.extui %gt3A_224 : vector<16xi1> to vector<16xi32>
              %max3A_226 = arith.maxsi %while3A_189, %convert_element_type3A_225 : vector<16xi32>
              %mul3A_227 = arith.constant 2 : i32
              %mul3A_228 = arith.muli %while3A_188, %mul3A_227 : i32
              %add3A_229 = arith.constant 1 : i32
              %add3A_230 = arith.addi %mul3A_228, %add3A_229 : i32
              %mul3A_231 = arith.constant 16 : i32
              %mul3A_232 = arith.muli %add3A_230, %mul3A_231 : i32
              %get3A_233 = arith.index_cast %mul3A_232 : i32 to index
              %get3A_234 = tpu.vector_load %arg19[%get3A_233] {strides = array<i32>} : memref<320xf32, #tpu.memory_space<vmem>>, vector<16xf32>,
              %get3A_235 = arith.index_cast %mul3A_232 : i32 to index
              %get3A_236 = tpu.vector_load %arg20[%get3A_235] {strides = array<i32>} : memref<320xf32, #tpu.memory_space<vmem>>, vector<16xf32>,
              %get3A_237 = arith.index_cast %mul3A_232 : i32 to index
              %get3A_238 = tpu.vector_load %arg21[%get3A_237] {strides = array<i32>} : memref<320xf32, #tpu.memory_space<vmem>>, vector<16xf32>,
              %get3A_239 = arith.index_cast %mul3A_232 : i32 to index
              %get3A_240 = tpu.vector_load %arg22[%get3A_239] {strides = array<i32>} : memref<320xf32, #tpu.memory_space<vmem>>, vector<16xf32>,
              %get3A_241 = arith.index_cast %mul3A_232 : i32 to index
              %get3A_242 = tpu.vector_load %arg23[%get3A_241] {strides = array<i32>} : memref<320xf32, #tpu.memory_space<vmem>>, vector<16xf32>,
              %max3A_243 = arith.maximumf %get3A_234, %broadcast_in_dim3A_148 : vector<16xf32>
              %max3A_244 = arith.maximumf %get3A_236, %broadcast_in_dim3A_149 : vector<16xf32>
              %min3A_245 = arith.minimumf %get3A_238, %broadcast_in_dim3A_150 : vector<16xf32>
              %min3A_246 = arith.minimumf %get3A_240, %broadcast_in_dim3A_151 : vector<16xf32>
              %sub3A_247 = arith.subf %min3A_245, %max3A_243 : vector<16xf32>
              %max3A_248 = arith.constant 0.000000e+00 : f32
              %max3A_249 = vector.broadcast %max3A_248 : f32 to vector<16xf32>
              %max3A_250 = arith.maximumf %sub3A_247, %max3A_249 : vector<16xf32>
              %sub3A_251 = arith.subf %min3A_246, %max3A_244 : vector<16xf32>
              %max3A_252 = arith.constant 0.000000e+00 : f32
              %max3A_253 = vector.broadcast %max3A_252 : f32 to vector<16xf32>
              %max3A_254 = arith.maximumf %sub3A_251, %max3A_253 : vector<16xf32>
              %mul3A_255 = arith.mulf %max3A_250, %max3A_254 : vector<16xf32>
              %add3A_256 = arith.addf %broadcast_in_dim3A_152, %get3A_242 : vector<16xf32>
              %sub3A_257 = arith.subf %add3A_256, %mul3A_255 : vector<16xf32>
              %max3A_258 = arith.constant 9.99999993E-9 : f32
              %max3A_259 = vector.broadcast %max3A_258 : f32 to vector<16xf32>
              %max3A_260 = arith.maximumf %sub3A_257, %max3A_259 : vector<16xf32>
              %div3A_261 = arith.divf %mul3A_255, %max3A_260 : vector<16xf32>
              %gt3A_262 = arith.constant 0.699999988 : f32
              %gt3A_263 = vector.broadcast %gt3A_262 : f32 to vector<16xf32>
              %gt3A_264 = arith.cmpf ogt, %div3A_261, %gt3A_263 : vector<16xf32>
              %convert_element_type3A_265 = arith.extui %gt3A_264 : vector<16xi1> to vector<16xi32>
              %max3A_266 = arith.maxsi %max3A_226, %convert_element_type3A_265 : vector<16xi32>
              scf.yield %max3A_266 : vector<16xi32>
            }
            %while3A_166 = arith.constant 1 : i32
            %while3A_167 = scf.for %while3A_188 = %while3A_163 to %while3A_159 step %while3A_166 iter_args(%while3A_189 = %while3A_165) -> (vector<16xi32>)  : i32 {
              %mul3A_190 = arith.constant 2 : i32
              %mul3A_191 = arith.muli %while3A_188, %mul3A_190 : i32
              %add3A_192 = arith.constant 0 : i32
              %add3A_193 = arith.addi %mul3A_191, %add3A_192 : i32
              %mul3A_194 = arith.constant 16 : i32
              %mul3A_195 = arith.muli %add3A_193, %mul3A_194 : i32
              %get3A = arith.index_cast %mul3A_195 : i32 to index
              %get3A_196 = tpu.vector_load %arg19[%get3A] {strides = array<i32>} : memref<320xf32, #tpu.memory_space<vmem>>, vector<16xf32>,
              %get3A_197 = arith.index_cast %mul3A_195 : i32 to index
              %get3A_198 = tpu.vector_load %arg20[%get3A_197] {strides = array<i32>} : memref<320xf32, #tpu.memory_space<vmem>>, vector<16xf32>,
              %get3A_199 = arith.index_cast %mul3A_195 : i32 to index
              %get3A_200 = tpu.vector_load %arg21[%get3A_199] {strides = array<i32>} : memref<320xf32, #tpu.memory_space<vmem>>, vector<16xf32>,
              %get3A_201 = arith.index_cast %mul3A_195 : i32 to index
              %get3A_202 = tpu.vector_load %arg22[%get3A_201] {strides = array<i32>} : memref<320xf32, #tpu.memory_space<vmem>>, vector<16xf32>,
              %get3A_203 = arith.index_cast %mul3A_195 : i32 to index
              %get3A_204 = tpu.vector_load %arg23[%get3A_203] {strides = array<i32>} : memref<320xf32, #tpu.memory_space<vmem>>, vector<16xf32>,
              %max3A = arith.maximumf %get3A_196, %broadcast_in_dim3A_148 : vector<16xf32>
              %max3A_205 = arith.maximumf %get3A_198, %broadcast_in_dim3A_149 : vector<16xf32>
              %min3A_206 = arith.minimumf %get3A_200, %broadcast_in_dim3A_150 : vector<16xf32>
              %min3A_207 = arith.minimumf %get3A_202, %broadcast_in_dim3A_151 : vector<16xf32>
              %sub3A_208 = arith.subf %min3A_206, %max3A : vector<16xf32>
              %max3A_209 = arith.constant 0.000000e+00 : f32
              %max3A_210 = vector.broadcast %max3A_209 : f32 to vector<16xf32>
              %max3A_211 = arith.maximumf %sub3A_208, %max3A_210 : vector<16xf32>
              %sub3A_212 = arith.subf %min3A_207, %max3A_205 : vector<16xf32>
              %max3A_213 = arith.constant 0.000000e+00 : f32
              %max3A_214 = vector.broadcast %max3A_213 : f32 to vector<16xf32>
              %max3A_215 = arith.maximumf %sub3A_212, %max3A_214 : vector<16xf32>
              %mul3A_216 = arith.mulf %max3A_211, %max3A_215 : vector<16xf32>
              %add3A_217 = arith.addf %broadcast_in_dim3A_152, %get3A_204 : vector<16xf32>
              %sub3A_218 = arith.subf %add3A_217, %mul3A_216 : vector<16xf32>
              %max3A_219 = arith.constant 9.99999993E-9 : f32
              %max3A_220 = vector.broadcast %max3A_219 : f32 to vector<16xf32>
              %max3A_221 = arith.maximumf %sub3A_218, %max3A_220 : vector<16xf32>
              %div3A = arith.divf %mul3A_216, %max3A_221 : vector<16xf32>
              %gt3A_222 = arith.constant 0.699999988 : f32
              %gt3A_223 = vector.broadcast %gt3A_222 : f32 to vector<16xf32>
              %gt3A_224 = arith.cmpf ogt, %div3A, %gt3A_223 : vector<16xf32>
              %convert_element_type3A_225 = arith.extui %gt3A_224 : vector<16xi1> to vector<16xi32>
              %max3A_226 = arith.maxsi %while3A_189, %convert_element_type3A_225 : vector<16xi32>
              %mul3A_227 = arith.constant 2 : i32
              %mul3A_228 = arith.muli %while3A_188, %mul3A_227 : i32
              %add3A_229 = arith.constant 1 : i32
              %add3A_230 = arith.addi %mul3A_228, %add3A_229 : i32
              %mul3A_231 = arith.constant 16 : i32
              %mul3A_232 = arith.muli %add3A_230, %mul3A_231 : i32
              %get3A_233 = arith.index_cast %mul3A_232 : i32 to index
              %get3A_234 = tpu.vector_load %arg19[%get3A_233] {strides = array<i32>} : memref<320xf32, #tpu.memory_space<vmem>>, vector<16xf32>,
              %get3A_235 = arith.index_cast %mul3A_232 : i32 to index
              %get3A_236 = tpu.vector_load %arg20[%get3A_235] {strides = array<i32>} : memref<320xf32, #tpu.memory_space<vmem>>, vector<16xf32>,
              %get3A_237 = arith.index_cast %mul3A_232 : i32 to index
              %get3A_238 = tpu.vector_load %arg21[%get3A_237] {strides = array<i32>} : memref<320xf32, #tpu.memory_space<vmem>>, vector<16xf32>,
              %get3A_239 = arith.index_cast %mul3A_232 : i32 to index
              %get3A_240 = tpu.vector_load %arg22[%get3A_239] {strides = array<i32>} : memref<320xf32, #tpu.memory_space<vmem>>, vector<16xf32>,
              %get3A_241 = arith.index_cast %mul3A_232 : i32 to index
              %get3A_242 = tpu.vector_load %arg23[%get3A_241] {strides = array<i32>} : memref<320xf32, #tpu.memory_space<vmem>>, vector<16xf32>,
              %max3A_243 = arith.maximumf %get3A_234, %broadcast_in_dim3A_148 : vector<16xf32>
              %max3A_244 = arith.maximumf %get3A_236, %broadcast_in_dim3A_149 : vector<16xf32>
              %min3A_245 = arith.minimumf %get3A_238, %broadcast_in_dim3A_150 : vector<16xf32>
              %min3A_246 = arith.minimumf %get3A_240, %broadcast_in_dim3A_151 : vector<16xf32>
              %sub3A_247 = arith.subf %min3A_245, %max3A_243 : vector<16xf32>
              %max3A_248 = arith.constant 0.000000e+00 : f32
              %max3A_249 = vector.broadcast %max3A_248 : f32 to vector<16xf32>
              %max3A_250 = arith.maximumf %sub3A_247, %max3A_249 : vector<16xf32>
              %sub3A_251 = arith.subf %min3A_246, %max3A_244 : vector<16xf32>
              %max3A_252 = arith.constant 0.000000e+00 : f32
              %max3A_253 = vector.broadcast %max3A_252 : f32 to vector<16xf32>
              %max3A_254 = arith.maximumf %sub3A_251, %max3A_253 : vector<16xf32>
              %mul3A_255 = arith.mulf %max3A_250, %max3A_254 : vector<16xf32>
              %add3A_256 = arith.addf %broadcast_in_dim3A_152, %get3A_242 : vector<16xf32>
              %sub3A_257 = arith.subf %add3A_256, %mul3A_255 : vector<16xf32>
              %max3A_258 = arith.constant 9.99999993E-9 : f32
              %max3A_259 = vector.broadcast %max3A_258 : f32 to vector<16xf32>
              %max3A_260 = arith.maximumf %sub3A_257, %max3A_259 : vector<16xf32>
              %div3A_261 = arith.divf %mul3A_255, %max3A_260 : vector<16xf32>
              %gt3A_262 = arith.constant 0.699999988 : f32
              %gt3A_263 = vector.broadcast %gt3A_262 : f32 to vector<16xf32>
              %gt3A_264 = arith.cmpf ogt, %div3A_261, %gt3A_263 : vector<16xf32>
              %convert_element_type3A_265 = arith.extui %gt3A_264 : vector<16xi1> to vector<16xi32>
              %max3A_266 = arith.maxsi %max3A_226, %convert_element_type3A_265 : vector<16xi32>
              scf.yield %max3A_266 : vector<16xi32>
            }
            %reduce_max3A = arith.constant true
            %reduce_max3A_168 = vector.broadcast %reduce_max3A : i1 to vector<16xi1>
            %reduce_max3A_169 = arith.constant -2147483648 : i32
            %reduce_max3A_170 = vector.broadcast %reduce_max3A_169 : i32 to vector<16xi32>
            %reduce_max3A_171 = arith.xori %while3A_167, %reduce_max3A_170 : vector<16xi32>
            %reduce_max3A_172 = tpu.scan <max>, %reduce_max3A_171 masked %reduce_max3A_168 : vector<16xi32>, vector<16xi1> -> vector<16xi32>
            %reduce_max3A_173 = arith.xori %reduce_max3A_172, %reduce_max3A_170 : vector<16xi32>
            %reduce_max3A_174 = vector.extract %reduce_max3A_173[15] : i32 from vector<16xi32>
            %eq3A_175 = arith.constant 0 : i32
            %eq3A_176 = arith.cmpi eq, %reduce_max3A_174, %eq3A_175 : i32
            %convert_element_type3A_177 = arith.extui %eq3A_176 : i1 to i32
            %cond3A_178 = arith.constant 0 : i32
            %cond3A_179 = arith.cmpi ne, %convert_element_type3A_177, %cond3A_178 : i32
            scf.if %cond3A_179 {
              %broadcast_in_dim3A_188 = vector.broadcast %while3A_97 : i32 to vector<16xi32>
              %broadcast_in_dim3A_189 = vector.broadcast %squeeze3A_127 : f32 to vector<16xf32>
              tpu.vector_store_idx %arg19[%broadcast_in_dim3A_188], %broadcast_in_dim3A_189 masked %eq3A_4 : memref<320xf32, #tpu.memory_space<vmem>>[vector<16xi32>], vector<16xf32>, vector<16xi1>
              %broadcast_in_dim3A_190 = vector.broadcast %while3A_97 : i32 to vector<16xi32>
              %broadcast_in_dim3A_191 = vector.broadcast %squeeze3A_131 : f32 to vector<16xf32>
              tpu.vector_store_idx %arg20[%broadcast_in_dim3A_190], %broadcast_in_dim3A_191 masked %eq3A_4 : memref<320xf32, #tpu.memory_space<vmem>>[vector<16xi32>], vector<16xf32>, vector<16xi1>
              %broadcast_in_dim3A_192 = vector.broadcast %while3A_97 : i32 to vector<16xi32>
              %broadcast_in_dim3A_193 = vector.broadcast %squeeze3A_135 : f32 to vector<16xf32>
              tpu.vector_store_idx %arg21[%broadcast_in_dim3A_192], %broadcast_in_dim3A_193 masked %eq3A_4 : memref<320xf32, #tpu.memory_space<vmem>>[vector<16xi32>], vector<16xf32>, vector<16xi1>
              %broadcast_in_dim3A_194 = vector.broadcast %while3A_97 : i32 to vector<16xi32>
              %broadcast_in_dim3A_195 = vector.broadcast %squeeze3A_139 : f32 to vector<16xf32>
              tpu.vector_store_idx %arg22[%broadcast_in_dim3A_194], %broadcast_in_dim3A_195 masked %eq3A_4 : memref<320xf32, #tpu.memory_space<vmem>>[vector<16xi32>], vector<16xf32>, vector<16xi1>
              %broadcast_in_dim3A_196 = vector.broadcast %while3A_97 : i32 to vector<16xi32>
              %broadcast_in_dim3A_197 = vector.broadcast %squeeze3A_143 : f32 to vector<16xf32>
              tpu.vector_store_idx %arg23[%broadcast_in_dim3A_196], %broadcast_in_dim3A_197 masked %eq3A_4 : memref<320xf32, #tpu.memory_space<vmem>>[vector<16xi32>], vector<16xf32>, vector<16xi1>
              %gt3A_198 = arith.constant 0.000000e+00 : f32
              %gt3A_199 = arith.cmpf ogt, %while3A_110#0, %gt3A_198 : f32
              %jit3A_200 = arith.constant 1.000000e+00 : f32
              %jit3A_201 = arith.constant 0.000000e+00 : f32
              %select_n3A_202 = arith.select %gt3A_199, %jit3A_200, %jit3A_201 : f32
              %eq3A_203 = arith.constant 0 : i32
              %eq3A_204 = vector.broadcast %eq3A_203 : i32 to vector<16xi32>
              %eq3A_205 = arith.cmpi eq, %iota3A, %eq3A_204 : vector<16xi32>
              %eq3A_206 = arith.constant 1 : i32
              %eq3A_207 = vector.broadcast %eq3A_206 : i32 to vector<16xi32>
              %eq3A_208 = arith.cmpi eq, %iota3A, %eq3A_207 : vector<16xi32>
              %eq3A_209 = arith.constant 2 : i32
              %eq3A_210 = vector.broadcast %eq3A_209 : i32 to vector<16xi32>
              %eq3A_211 = arith.cmpi eq, %iota3A, %eq3A_210 : vector<16xi32>
              %broadcast_in_dim3A_212 = vector.broadcast %squeeze3A_135 : f32 to vector<16xf32>
              %broadcast_in_dim3A_213 = vector.broadcast %squeeze3A_139 : f32 to vector<16xf32>
              %select_n3A_214 = arith.select %eq3A_211, %broadcast_in_dim3A_212, %broadcast_in_dim3A_213 : vector<16xi1>, vector<16xf32>
              %broadcast_in_dim3A_215 = vector.broadcast %squeeze3A_131 : f32 to vector<16xf32>
              %select_n3A_216 = arith.select %eq3A_208, %broadcast_in_dim3A_215, %select_n3A_214 : vector<16xi1>, vector<16xf32>
              %broadcast_in_dim3A_217 = vector.broadcast %squeeze3A_127 : f32 to vector<16xf32>
              %select_n3A_218 = arith.select %eq3A_205, %broadcast_in_dim3A_217, %select_n3A_216 : vector<16xi1>, vector<16xf32>
              %mul3A_219 = vector.broadcast %select_n3A_202 : f32 to vector<16xf32>
              %mul3A_220 = arith.mulf %select_n3A_218, %mul3A_219 : vector<16xf32>
              %mul3A_221 = arith.constant 4 : i32
              %mul3A_222 = arith.muli %while3A_97, %mul3A_221 : i32
              %min3A_223 = arith.constant 3 : i32
              %min3A_224 = vector.broadcast %min3A_223 : i32 to vector<16xi32>
              %min3A_225 = arith.minsi %iota3A, %min3A_224 : vector<16xi32>
              %add3A_226 = vector.broadcast %mul3A_222 : i32 to vector<16xi32>
              %add3A_227 = arith.addi %add3A_226, %min3A_225 : vector<16xi32>
              %lt3A_228 = arith.constant 4 : i32
              %lt3A_229 = vector.broadcast %lt3A_228 : i32 to vector<16xi32>
              %lt3A_230 = arith.cmpi slt, %iota3A, %lt3A_229 : vector<16xi32>
              tpu.vector_store_idx %arg24[%add3A_227], %mul3A_220 masked %lt3A_230 : memref<1200xf32, #tpu.memory_space<vmem>>[vector<16xi32>], vector<16xf32>, vector<16xi1>
            } else {
            }
            %eq3A_180 = arith.constant 0 : i32
            %eq3A_181 = arith.cmpi eq, %reduce_max3A_174, %eq3A_180 : i32
            %jit3A_182 = arith.constant 1 : i32
            %jit3A_183 = arith.constant 0 : i32
            %select_n3A_184 = arith.select %eq3A_181, %jit3A_182, %jit3A_183 : i32
            %add3A_185 = arith.addi %while3A_97, %select_n3A_184 : i32
            %add3A_186 = arith.constant 1 : i32
            %add3A_187 = arith.addi %while3A_96, %add3A_186 : i32
            scf.yield %add3A_187, %add3A_185 : i32, i32
          }
          scf.yield %while3A_95#1 : i32
        } else {
          scf.yield %while3A_72 : i32
        }
        %sub3A_88 = arith.constant 1 : i32
        %sub3A_89 = arith.subi %while3A_71, %sub3A_88 : i32
        scf.yield %sub3A_89, %cond3A_87, %select_n3A : i32, i32, i32
      }
      "tpu.region"() ({
        %run_scoped3A = tpu.sem_alloc : memref<!tpu.dma_semaphore, #tpu.memory_space<semaphore_mem>>
        %dma_start3A = arith.constant 0 : i32
        %dma_start3A_71 = tpu.memref_slice %arg4[%add3A, %dma_start3A] : memref<4x1200xf32, #tpu.memory_space<hbm>> -> memref<1x1200xf32, #tpu.memory_space<hbm>>
        %dma_start3A_72 = tpu.memref_squeeze %dma_start3A_71 : memref<1x1200xf32, #tpu.memory_space<hbm>> -> memref<1200xf32, #tpu.memory_space<hbm>>
        %dma_start3A_73 = arith.constant 0 : i32
        %dma_start3A_74 = tpu.memref_slice %arg4[%add3A, %dma_start3A_73] : memref<4x1200xf32, #tpu.memory_space<hbm>> -> memref<1x1200xf32, #tpu.memory_space<hbm>>
        %dma_start3A_75 = tpu.memref_squeeze %dma_start3A_74 : memref<1x1200xf32, #tpu.memory_space<hbm>> -> memref<1200xf32, #tpu.memory_space<hbm>>
        tpu.enqueue_dma source(%arg24 : memref<1200xf32, #tpu.memory_space<vmem>>) target(%dma_start3A_75 : memref<1200xf32, #tpu.memory_space<hbm>>) target_semaphore(%run_scoped3A : memref<!tpu.dma_semaphore, #tpu.memory_space<semaphore_mem>>)
        %dma_wait3A = arith.constant 0 : i32
        %dma_wait3A_76 = tpu.memref_slice %arg4[%add3A, %dma_wait3A] : memref<4x1200xf32, #tpu.memory_space<hbm>> -> memref<1x1200xf32, #tpu.memory_space<hbm>>
        %dma_wait3A_77 = tpu.memref_squeeze %dma_wait3A_76 : memref<1x1200xf32, #tpu.memory_space<hbm>> -> memref<1200xf32, #tpu.memory_space<hbm>>
        %dma_wait3A_78 = arith.constant 0 : i32
        %dma_wait3A_79 = tpu.memref_slice %arg4[%add3A, %dma_wait3A_78] : memref<4x1200xf32, #tpu.memory_space<hbm>> -> memref<1x1200xf32, #tpu.memory_space<hbm>>
        %dma_wait3A_80 = tpu.memref_squeeze %dma_wait3A_79 : memref<1x1200xf32, #tpu.memory_space<hbm>> -> memref<1200xf32, #tpu.memory_space<hbm>>
        tpu.wait_dma2 semaphore(%run_scoped3A : memref<!tpu.dma_semaphore, #tpu.memory_space<semaphore_mem>>) src(%arg24 : memref<1200xf32, #tpu.memory_space<vmem>>) dst(%dma_wait3A_80 : memref<1200xf32, #tpu.memory_space<hbm>>)
        tpu.yield
      }) : () -> ()
    } else {
    }
    return
  }
}

</mosaic_0001>

<sc_bundles>
// kernel: kernel.3.cloned.1.call-start
scs
__scs_entry_jumppad:
0x0: {  	(pc) =	sbr.rel $0x88, $3  }
0x1: {  	(tag) =	ssettag $0x0;
	lr =	simm.s32 $0x1  }
0x2: {  	[smem:$0x3F9F] =	sst lr;
	_ =	strace $0xD0000000  }
0x3: {  	_ = 	snop  }
0x4: {  	_ = 	snop  }
0x5: {  	_ = 	snop  }
0x6: {  	_ = 	snop  }
0x7: {  	_ = 	snop  }
__scs_overlays_trampoline_lowered:
0x8: {  	[smem:$0x3FAE] =	sst s0  }
0x9: {  	[smem:$0x3FAF] =	sst s1  }
0xa: {  	[smem:$0x3FB0] =	sst s2  }
0xb: {  	[smem:$0x3FB1] =	sst s3  }
0xc: {  	[smem:$0x3FB2] =	sst s4  }
0xd: {  	[smem:$0x3FB3] =	sst s5  }
0xe: {  	[smem:$0x3FB4] =	sst s6  }
0xf: {  	[smem:$0x3FB5] =	sst s7  }
0x10: {  	[smem:$0x3FB6] =	sst s8  }
0x11: {  	[smem:$0x3FB7] =	sst s9;
	s0 =	simm.s32 @!p0 $0x0  }
0x12: {  	s1 =	sld [smem:$0x3F9D];
	s0 =	simm.s32 @p0 $0x1  }
0x13: {  	[smem:$0x3FB8] =	sst s0;
	s0 =	simm.s32 @!p1 $0x0  }
0x14: {  	s2 =	sld [smem:$0x3F9C];
	s0 =	simm.s32 @p1 $0x1  }
0x15: {  	[smem:$0x3FB9] =	sst s0;
	s0 =	simm.s32 @!p2 $0x0  }
0x16: {  	s3 =	sld [smem:$0x3FDB];
	s0 =	simm.s32 @p2 $0x1  }
0x17: {  	s4 =	simm.s32 $0x1BF5;
	[smem:$0x3FBB] =	sst s0  }
0x18: {  	s0 =	sld [smem:$0x3F9E];
	_ =	swait.ge [sflag:s4], $0x0  }
0x19: {  	s7 =	sld [smem:$0x3F9F]  }
0x1a: {  	s8 =	sadd.s32 $0xFFFFE003, lr  }
0x1b: {  	s9 =	sadd.s32 $0xFFFFFEF7, lr;
	s5 =	simm.s32 $0xFFFFFFFF;
	p2 =	slt.u32 s8, $0xFFFFF086  }
0x1c: {  	p1 =	slt.u32 s9, $0xF7A;
	s5 =	simm.s32 @!p2 $0x0  }
0x1d: {  	s5 =	simm.s32 @p1 $0x1;
	p0 =	seq.s32 s7, s2  }
0x1e: {  	s7 =	smul.u32 @!p0 $0xF7A, s2;
	p2 =	seq.s32 @!p0 s5, $0x0  }
0x1f: {  	s9 =	smul.u32 $0xF7A, s1;
	s8 =	simm.s32 @!p0 $0x1BF5;
	p2 =	por !p2, p0  }
0x20: {  	[sflag:s8] =	ssyncset.s32 @!p0 $0xFFFFF086;
	s6 =	sadd.s32 @!p0 s3, s7;
	s7 =	simm.s32 @!p0 $0x108  }
0x21: {  	s3 =	sadd.s32 s3, s9;
	s6 =	sadd.s32 @!p0 $0x88, s6;
	s7 =	simm.s32 @p2 $0x1082  }
0x22: {  	[simem:s7], [sflag:s8] =	dma.local @!p0 [hbm:s6], $0xF7A  }
0x23: {  	s9 =	sor.u32 $0xD0000000, s2;
	s6 =	simm.s32 $0x108;
	_ =	swait.ge @!p0 [sflag:s8], $0x0  }
0x24: {  	s3 =	sadd.s32 $0x88, s3;
	s6 =	simm.s32 @!p1 $0x1082;
	[sflag:s4] =	ssyncset.s32 $0xFFFFF086  }
0x25: {  	[simem:s6], [sflag:s4] =	dma.local [hbm:s3], $0xF7A  }
0x26: {  	[smem:$0x3F9F] =	sst s1;
	(tag) =	ssettag s2;
	_ =	strace s9  }
0x27: {  	s1 =	sld [smem:$0x3FAF]  }
0x28: {  	s2 =	sld [smem:$0x3FB0]  }
0x29: {  	s4 =	sld [smem:$0x3FB2]  }
0x2a: {  	p0 =	seq.s32 s5, $0x0;
	s5 =	sld [smem:$0x3FB3]  }
0x2b: {  	s6 =	sld [smem:$0x3FB4]  }
0x2c: {  	s7 =	sld [smem:$0x3FB5]  }
0x2d: {  	s3 =	simm.s32 $0x108;
	s8 =	sld [smem:$0x3FB6]  }
0x2e: {  	s3 =	simm.s32 @!p0 $0x1082;
	s9 =	sld [smem:$0x3FB7]  }
0x2f: {  	lr =	sadd.s32 s0, s3;
	s0 =	sld [smem:$0x3FAE]  }
0x30: {  	s3 =	sld [smem:$0x3FB1]  }
0x31: {  	[smem:$0x3FBA] =	sst s10  }
0x32: {  	s10 =	sld [smem:$0x3FB8];
	_ =	sdelay $0x3  }
0x33: {  	p0 =	seq.s32 s10, $0x1;
	s10 =	sld [smem:$0x3FBA];
	_ =	sdelay $0x3  }
0x34: {  	[smem:$0x3FBA] =	sst s10  }
0x35: {  	s10 =	sld [smem:$0x3FB9];
	_ =	sdelay $0x3  }
0x36: {  	p1 =	seq.s32 s10, $0x1;
	s10 =	sld [smem:$0x3FBA];
	_ =	sdelay $0x3  }
0x37: {  	[smem:$0x3FBA] =	sst s10  }
0x38: {  	s10 =	sld [smem:$0x3FBB]  }
0x39: {  	_ = 	snop;
	(pc) =	sbr.ind lr, $3  }
0x3a: {  	_ = 	snop  }
0x3b: {  	_ = 	snop  }
0x3c: {  	p2 =	seq.s32 s10, $0x1;
	s10 =	sld [smem:$0x3FBA]  }
0x3d: {  	_ =	shalt  }
0x3e: {  	_ =	shalt  }
0x3f: {  	_ =	shalt  }
0x40: {  	_ =	shalt  }
0x41: {  	_ =	shalt  }
0x42: {  	_ =	shalt  }
0x43: {  	_ =	shalt  }
0x44: {  	_ =	shalt  }
0x45: {  	_ =	shalt  }
0x46: {  	_ =	shalt  }
0x47: {  	_ =	shalt  }
0x48: {  	_ =	shalt  }
0x49: {  	_ =	shalt  }
0x4a: {  	_ =	shalt  }
0x4b: {  	_ =	shalt  }
0x4c: {  	_ =	shalt  }
0x4d: {  	_ =	shalt  }
0x4e: {  	_ =	shalt  }
0x4f: {  	_ =	shalt  }
0x50: {  	_ =	shalt  }
0x51: {  	_ =	shalt  }
0x52: {  	_ =	shalt  }
0x53: {  	_ =	shalt  }
0x54: {  	_ =	shalt  }
0x55: {  	_ =	shalt  }
0x56: {  	_ =	shalt  }
0x57: {  	_ =	shalt  }
0x58: {  	_ =	shalt  }
0x59: {  	_ =	shalt  }
0x5a: {  	_ =	shalt  }
0x5b: {  	_ =	shalt  }
0x5c: {  	_ =	shalt  }
0x5d: {  	_ =	shalt  }
0x5e: {  	_ =	shalt  }
0x5f: {  	_ =	shalt  }
0x60: {  	_ =	shalt  }
0x61: {  	_ =	shalt  }
0x62: {  	_ =	shalt  }
0x63: {  	_ =	shalt  }
0x64: {  	_ =	shalt  }
0x65: {  	_ =	shalt  }
0x66: {  	_ =	shalt  }
0x67: {  	_ =	shalt  }
0x68: {  	_ =	shalt  }
0x69: {  	_ =	shalt  }
0x6a: {  	_ =	shalt  }
0x6b: {  	_ =	shalt  }
0x6c: {  	_ =	shalt  }
0x6d: {  	_ =	shalt  }
0x6e: {  	_ =	shalt  }
0x6f: {  	_ =	shalt  }
0x70: {  	_ =	shalt  }
0x71: {  	_ =	shalt  }
0x72: {  	_ =	shalt  }
0x73: {  	_ =	shalt  }
0x74: {  	_ =	shalt  }
0x75: {  	_ =	shalt  }
0x76: {  	_ =	shalt  }
0x77: {  	_ =	shalt  }
0x78: {  	_ =	shalt  }
0x79: {  	_ =	shalt  }
0x7a: {  	_ =	shalt  }
0x7b: {  	_ =	shalt  }
0x7c: {  	_ =	shalt  }
0x7d: {  	_ =	shalt  }
0x7e: {  	_ =	shalt  }
0x7f: {  	_ =	shalt  }
0x80: {  	_ =	shalt  }
0x81: {  	_ =	shalt  }
0x82: {  	_ =	shalt  }
0x83: {  	_ =	shalt  }
0x84: {  	_ =	shalt  }
0x85: {  	_ =	shalt  }
0x86: {  	_ =	shalt  }
0x87: {  	_ =	shalt  }
.Lfunc_end0:
.L_simem_size_0:
called_computation_lowered:
.L_overlay_start_0:
0x88: {  	s2 =	sld [smem:$0x3FD9]  }
0x89: {  	s3 =	sld [smem:$0x3FFE];
	_ =	sdelay $0x1  }
0x8a: {  	s1 =	srdreg.scid  }
0x8b: {  	s0 =	sand.u32 $0x1, s1  }
0x8c: {  	s17 =	sshll.u32 s0, $0xA;
	s2 =	sadd.s32 s3, s2  }
0x8d: {  	s2 =	sadd.s32 s2, s17  }
0x8e: {  	[smem:$0x3FC6] =	sst s2  }
0x8f: {  	_ = 	snop  }
0x90: {  	s2 =	sld [smem:$0x3FD0];
	(tm) =	ssettm $0x1  }
0x91: {  	s18 =	sld [smem:$0x3FFB];
	_ =	sdelay $0x3  }
0x92: {  	_ =	strace s18  }
0x93: {  	s3 =	sld [smem:$0x3FFC];
	_ =	sdelay $0x3  }
0x94: {  	_ =	strace s3  }
0x95: {  	s3 =	sld [smem:$0x3FFD];
	_ =	sdelay $0x3  }
0x96: {  	_ =	strace s3  }
0x97: {  	_ =	strace $0x8FFFFFFF  }
0x98: {  	s19 =	sld [smem:$0x3FDB];
	_ =	sdelay $0x1  }
0x99: {  	s4 =	simm.s32 $_scs_section_size  }
0x9a: {  	s5 =	simm.s32 $_size__tile_overlayer_lowered;
	s6 =	simm.s32 $_tile_overlayer_lowered  }
0x9b: {  	s22 =	simm.s32 $0x1BFF;
	s21 =	sshll.u32 s6, $0x1;
	s3 =	sadd.s32 s4, s19  }
0x9c: {  	s7 =	simm.s32 $0x0;
	s20 =	sshll.u32 s5, $0x1;
	s5 =	sadd.s32 s21, s3  }
0x9d: {  	[timem:s7], [sflag:s22] =	dma.local [hbm:s5], s20  }
0x9e: {  	_ =	swait.ge [sflag:s22], s20  }
0x9f: {  	s4 =	ssub.s32 $0x0, s20;
	[sflag:s22] =	ssyncset.done $0x0  }
0xa0: {  	[sflag:s22] =	ssyncadd.s32 s4;
	_ =	sdelay $0x1  }
0xa1: {  	s23 =	simm.s32 $0x1B8B  }
0xa2: {  	_ =	swait.ge [sflag:s23], $0x1  }
0xa3: {  	[sflag:s23] =	ssyncset.done $0x0  }
0xa4: {  	s25 =	simm.s32 $0x1B8E;
	s24 =	sld [smem:$0x3FFE];
	[sflag:s23] =	ssyncadd.s32 $0xFFFFFFFF  }
0xa5: {  	s26 =	simm.s32 $execute0_lowered;
	[smem:$0x3FD2] =	sst s25  }
0xa6: {  	s5 =	sshll.u32 s26, $0x1;
	_ =	strace $0x80000046;
	[dreg:$0x1] =	wrdreg $0xFFFFFFFF  }
0xa7: {  	s28 =	simm.s32 $_size_execute0_lowered;
	s3 =	sadd.s32 s3, s5;
	[dreg:$0x0] =	wrdreg $0x0  }
0xa8: {  	s5 =	sshll.u32 s28, $0x1;
	[dreg:$0x2] =	wrdreg s3  }
0xa9: {  	[dreg:$0x3] =	wrdreg s5  }
0xaa: {  	[dreg:$0x4] =	wrdreg $0xC0  }
0xab: {  	_ =	task [dreg:s7], $0x5FFFF  }
0xac: {  	[dreg:$0x1] =	wrdreg $0xFFFFFFFF  }
0xad: {  	[dreg:$0x0] =	wrdreg $0x60  }
0xae: {  	[dreg:$0x2] =	wrdreg s24  }
0xaf: {  	[dreg:$0x3] =	wrdreg s2  }
0xb0: {  	[dreg:$0x4] =	wrdreg $0x9  }
0xb1: {  	_ =	task.clear_ibuf [dreg:s7], $0x5FFFF;
	_ =	strace $0x90000046  }
0xb2: {  	s29 =	simm.s32 $0x9;
	_ =	strace $0x80000048  }
0xb3: {  	_ =	swait.ge [sflag:s29], $0x1  }
0xb4: {  	[sflag:s29] =	ssyncadd.s32 $0xFFFFFFFF  }
0xb5: {  	_ =	strace $0x90000048  }
0xb6: {  	_ =	sfence  }
0xb7: {  	s30 =	sld [smem:$0x0];
	_ =	sdelay $0x2  }
0xb8: {  	s31 =	sshll.u32 s1, $0xD;
	s1 =	sshrl.u32 s1, $0x2  }
0xb9: {  	s3 =	sand.u32 $0x4000, s31;
	s1 =	sadd.s32 s1, s30  }
0xba: {  	s0 =	sor.u32 s3, s0;
	s1 =	sshll.u32 s1, $0x11  }
0xbb: {  	s0 =	sor.u32 s1, s0  }
0xbc: {  	s0 =	sadd.s32 $0x8F2B, s0  }
0xbd: {  	[sflag:s0] =	ssyncadd.remote.s32 $0x1  }
0xbe: {  	_ =	sfence.sel $0xFFFF  }
0xbf: {  	[dreg:$0x0] =	wrdreg $0xFFFFFFFF;
	(pc) =	sbr.abs _section_cstart, $3  }
0xc0: {  	[dreg:$0x1] =	wrdreg $0xFFFFFFFF  }
0xc1: {  	_ =	task.clear_ibuf [dreg:s7], $0x2FFFF;
	_ =	strace $0x9FFFFFFF  }
0xc2: {  	(tm) =	ssettm $0x7FFFFFFF  }
0xc3: {  	_ =	shalt  }
tec
execute0_lowered:
.L_overlay_start_1:
0x0: {  	(tag) =	ssettag $0x1  }
0x1: {  	s2 =	stileid.u32  }
0x2: {  	p0 =	sgt.u32 s2, $0x1  }
.Ltmp0:
0x3: {  	_ = 	snop;
	(pc) =	sbr.rel @p0 .LBB2_85-.Ltmp0, $4  }
0x4: {  	_ = 	snop  }
0x5: {  	s1 =	rddreg [dreg:$0x0];
	s3 =	simm.s32 $0x0  }
0x6: {  	[smem:$0x7FF] =	sst s3  }
0x7: {  	s0 =	rddreg [dreg:$0x1];
	_ =	strace $0x80000047  }
0x8: {  	s2 =	srdreg.scid;
	s4 =	stileid.u32  }
0x9: {  	s5 =	sadd.s32 $0x28E00, s1;
	s8 =	simm.s32 $0x5100;
	s10 =	simm.s32 $0x17B00  }
0xa: {  	s11 =	simm.s32 $0x1D800;
	s16 =	simm.s32 $0x9100;
	s12 =	simm.s32 $0xD100  }
0xb: {  	s18 =	simm.s32 $0xD500;
	s19 =	simm.s32 $0xD900;
	s20 =	simm.s32 $0x12A00  }
0xc: {  	s21 =	simm.s32 $0x80;
	s22 =	simm.s32 $0x17F00;
	s2 =	sand.u32 $0x1, s2  }
0xd: {  	s29 =	simm.s32 $0x1BF00;
	s30 =	simm.s32 $0x1C300;
	s3 =	sshll.u32 s2, $0x1  }
0xe: {  	s31 =	simm.s32 $0x1C700;
	s2 =	ssub.s32 $0x2, s2;
	s3 =	sadd.s32 s4, s3  }
0xf: {  	s28 =	simm.s32 $0x0;
	s7 =	sshrl.u32 s2, $0x1;
	s4 =	smul.u32 $0x5100, s3  }
0x10: {  	s6 =	smul.u32 $0x96, s3;
	s3 =	sadd.s32 $0x600, s1;
	s23 =	ssub.s32 s2, s7  }
.Ltmp1:
0x11: {  	s7 =	simm.s32 $0x1D300;
	s1 =	simm.s32 $0x1CF00;
	(pc) =	sbr.rel .LBB2_2-.Ltmp1, $4  }
0x12: {  	s26 =	smax.u32 s23, $0x1;
	s23 =	simm.s32 $0x1;
	s24 =	sshrl.u32 s4, $0x3  }
0x13: {  	v1 =	vlaneseq.u32;
	v2 =	vimm.s32 $0x0;
	s0 =	sadd.s32 s0, s6;
	[dreg:$0x5] =	wrdreg s26;
	s6 =	simm.s32 $0x1D940  }
0x14: {  	v3 =	vimm.f32 $0.0e+00;
	v4 =	vimm.s32 $0x1;
	v0 =	vmov s4;
	s4 =	simm.s32 $0x0;
	[dreg:$0x3] =	wrdreg s0;
	s25 =	sadd.s32 s5, s24  }
0x15: {  	v7 =	vimm.f32 $-1.000000000e+00;
	v5 =	vor.u32 $0xFFFFFFE8, v1;
	v6 =	vor.u32 $0xFFFFFFF8, v1;
	s5 =	simm.s32 $0x2;
	s0 =	simm.s32 $0x1CB00;
	[dreg:$0x4] =	wrdreg s25  }
.LBB2_84:
0x16: {  	s2 =	simm.s32 $0x0  }
0x17: {  	s4 =	rddreg [dreg:$0x3];
	s6 =	simm.s32 $0x1D940;
	s5 =	simm.s32 $0x2  }
0x18: {  	[hbm4b:s4+s2] =	stream.linear.scatter [tilespmem:s6], [sflag:$0x2], $0x4B0, $0x38;
	[tilespmem:$0x1DDF0] =	vst v63  }
0x19: {  	_ =	swait.ge [sflag:s5], $0x4B0  }
0x1a: {  	s25 =	rddreg [dreg:$0x6]  }
0x1b: {  	s26 =	rddreg [dreg:$0x5];
	s4 =	sadd.s32 $0x1, s25  }
0x1c: {  	p0 =	sne.s32 s4, s26  }
.Ltmp2:
0x1d: {  	_ = 	snop;
	(pc) =	sbr.rel @!p0 .LBB2_85-.Ltmp2, $3  }
0x1e: {  	_ =	sdelay $0x1  }
0x1f: {  	[sflag:s5] =	ssyncset.done $0x0  }
0x20: {  	s7 =	simm.s32 $0x1D300;
	[sflag:s5] =	ssyncadd.s32 $0xFFFFFB50  }
.LBB2_2:
0x21: {  	[dreg:$0x6] =	wrdreg s4  }
0x22: {  	s2 =	simm.s32 $0x0;
	s26 =	rddreg [dreg:$0x4]  }
0x23: {  	[tilespmem:s2], [sflag:$0x2] =	stream.linear.gather [hbm4b:s26+s2], $0x5100, $0x38;
	[tilespmem:$0x1DDF0] =	vst v63  }
0x24: {  	_ =	swait.ge [sflag:s5], $0x5100  }
0x25: {  	[sflag:s5] =	ssyncset.done $0x0  }
0x26: {  	s4 =	simm.s32 $0x10;
	v8 =	vor.u32 s2, v1;
	[sflag:s5] =	ssyncadd.s32 $0xFFFFAF00  }
.LBB2_3:
0x27: {  	p0 =	sne.s32 s4, $0x3FF0  }
.Ltmp3:
0x28: {  	_ = 	snop;
	(pc) =	sbr.rel @p0 .LBB2_3-.Ltmp3, $3  }
0x29: {  	_ =	sdelay $0x1  }
0x2a: {  	[tilespmem:v8+s8+$0x0] =	vst.idx.msk $0xffff, v2;
	s5 =	smov.u32 s4;
	s4 =	sadd.s32 $0x10, s4  }
0x2b: {  	v8 =	vor.u32 s5, v1  }
0x2c: {  	_ =	sdelay $0x3  }
0x2d: {  	[tilespmem:v8+s8+$0x0] =	vst.idx.msk $0xffff, v2;
	s4 =	simm.s32 $0x10;
	v8 =	vor.u32 s2, v1  }
.LBB2_5:
0x2e: {  	p0 =	sne.s32 s4, $0x4A0  }
.Ltmp4:
0x2f: {  	_ = 	snop;
	(pc) =	sbr.rel @p0 .LBB2_5-.Ltmp4, $3  }
0x30: {  	_ =	sdelay $0x1  }
0x31: {  	[tilespmem:v8+s6+$0x0] =	vst.idx.msk $0xffff, v3;
	s2 =	smov.u32 s4;
	s4 =	sadd.s32 $0x10, s4  }
0x32: {  	v8 =	vor.u32 s2, v1  }
0x33: {  	_ =	sdelay $0x2  }
0x34: {  	s2 =	simm.s32 $0x0  }
0x35: {  	[tilespmem:v8+s6+$0x0] =	vst.idx.msk $0xffff, v3;
	s4 =	simm.s32 $0x10;
	v9 =	vor.u32 s2, v1  }
.LBB2_7:
0x36: {  	p0 =	sne.s32 s4, $0x3F0  }
.Ltmp5:
0x37: {  	_ = 	snop;
	(pc) =	sbr.rel @p0 .LBB2_7-.Ltmp5, $3  }
0x38: {  	_ =	sdelay $0x1  }
0x39: {  	[tilespmem:v9+s10+$0x0] =	vst.idx.msk $0xffff, v2;
	s5 =	smov.u32 s4;
	s4 =	sadd.s32 $0x10, s4  }
0x3a: {  	v9 =	vor.u32 s5, v1  }
0x3b: {  	v8 =	vor.u32 s2, v1;
	_ =	sdelay $0x2  }
0x3c: {  	v10 =	vmov v8  }
0x3d: {  	[tilespmem:v9+s10+$0x0] =	vst.idx.msk $0xffff, v2;
	s2 =	simm.s32 $0x10;
	v9 =	vmov v8  }
0x3e: {  	s4 =	simm.s32 $0x1D440;
	s5 =	simm.s32 $0x1D580;
	s6 =	simm.s32 $0x1D6C0;
	[tilespmem:v8+s7+$0x0] =	vst.idx.msk $0xffff, v3  }
.LBB2_9:
0x3f: {  	v11 =	vor.u32 s2, v1;
	p0 =	sne.s32 s2, $0x130  }
.Ltmp6:
0x40: {  	[tilespmem:v8+s4+$0x0] =	vst.idx.msk $0xffff, v3;
	v8 =	vmov v11;
	(pc) =	sbr.rel @p0 .LBB2_9-.Ltmp6, $4  }
0x41: {  	[tilespmem:v10+s5+$0x0] =	vst.idx.msk $0xffff, v3;
	v10 =	vmov v11  }
0x42: {  	[tilespmem:v9+s6+$0x0] =	vst.idx.msk $0xffff, v3  }
0x43: {  	[tilespmem:v9+s11+$0x0] =	vst.idx.msk $0xffff, v3;
	v9 =	vmov v11  }
0x44: {  	s2 =	sadd.s32 $0x10, s2;
	[tilespmem:v11+s7+$0x0] =	vst.idx.msk $0xffff, v3  }
0x45: {  	_ =	sdelay $0x3  }
0x46: {  	[tilespmem:v8+s4+$0x0] =	vst.idx.msk $0xffff, v3  }
0x47: {  	[tilespmem:v10+s5+$0x0] =	vst.idx.msk $0xffff, v3  }
0x48: {  	[tilespmem:v9+s6+$0x0] =	vst.idx.msk $0xffff, v3  }
0x49: {  	s4 =	simm.s32 $0x10;
	[tilespmem:v9+s11+$0x0] =	vst.idx.msk $0xffff, v3  }
.LBB2_11:
0x4a: {  	s2 =	sadd.s32 $0xFFFFFFF0, s4  }
0x4b: {  	v8 =	vor.u32 s2, v1;
	_ =	sdelay $0x3  }
0x4c: {  	s2 =	simm.s32 $0x0  }
0x4d: {  	v8 =	vld.idx.msk [tilespmem:v8+s2+$0x0], $0xffff;
	_ =	sdelay $0x4  }
0x4e: {  	v8 =	vmul.f32 $1.024000000e+03, v8;
	_ =	sdelay $0x1  }
0x4f: {  	v8 =	vtrunc.f32 v8  }
0x50: {  	v8 =	vcvt.f32.s32 v8;
	_ =	sdelay $0x1  }
0x51: {  	vm0 =	vlt.s32 v8, $0x3FF  }
0x52: {  	v8 =	vnsel vm0, $0x3FF, v8  }
0x53: {  	v8 =	vshll.u32 v8, $0x4  }
0x54: {  	v8 =	vor.u32 v1, v8  }
0x55: {  	v9 =	vor.u32 s4, v1;
	_ =	sdelay $0x3  }
0x56: {  	[tilespmem:v8+s8+$0x0] =	vst.idx.add.s32.msk $0xffff, v4  }
0x57: {  	v8 =	vld.idx.msk [tilespmem:v9+s2+$0x0], $0xffff;
	_ =	sdelay $0x4  }
0x58: {  	v8 =	vmul.f32 $1.024000000e+03, v8;
	_ =	sdelay $0x1  }
0x59: {  	v8 =	vtrunc.f32 v8  }
0x5a: {  	v8 =	vcvt.f32.s32 v8;
	_ =	sdelay $0x1  }
0x5b: {  	vm15 =	vlt.s32 v8, $0x3FF  }
0x5c: {  	v8 =	vnsel vm15, $0x3FF, v8  }
0x5d: {  	v8 =	vshll.u32 v8, $0x4  }
0x5e: {  	p0 =	sne.s32 s4, $0x50F0;
	v8 =	vor.u32 v1, v8  }
.Ltmp7:
0x5f: {  	_ = 	snop;
	(pc) =	sbr.rel @p0 .LBB2_11-.Ltmp7, $2  }
0x60: {  	_ =	sdelay $0x2  }
0x61: {  	s4 =	sadd.s32 $0x20, s4;
	[tilespmem:v8+s8+$0x0] =	vst.idx.add.s32.msk $0xffff, v4  }
0x62: {  	s4 =	simm.s32 $0x3FF0  }
0x63: {  	v8 =	vor.u32 s4, v1;
	_ =	sdelay $0x4  }
0x64: {  	v9 =	vld.idx.msk [tilespmem:v8+s8+$0x0], $0xffff;
	_ =	sdelay $0x4  }
0x65: {  	(xrf0) =	vadd.scan.msk.s32 $0xffff, v9;
	_ =	sdelay $0x2  }
0x66: {  	s15 =	simm.s32 $0x3FF  }
0x67: {  	v10 =	vmov s15  }
0x68: {  	s17 =	simm.s32 $0x3FE0  }
0x69: {  	v11 =	vor.u32 s17, v1;
	v9 =	vsub.s32 s2, v9;
	v12, _, _ =	vpop (xrf0)  }
0x6a: {  	v9 =	vadd.s32 v12, v9  }
0x6b: {  	v13 =	vmov s2;
	[tilespmem:v8+s16+$0x0] =	vst.idx.msk $0xffff, v9;
	v8 =	vbroadcast v12, $0xF  }
0x6c: {  	(v2sf) =	vpush v12, $0xF;
	[tilespmem:v10+s12+$0x0] =	vst.idx.msk $0x1, v13  }
0x6d: {  	[tilespmem:v10+s18+$0x0] =	vst.idx.msk $0x1, v8  }
0x6e: {  	v9 =	vld.idx.msk [tilespmem:v11+s8+$0x0], $0xffff;
	_ =	sdelay $0x4  }
0x6f: {  	(xrf0) =	vadd.scan.msk.s32 $0xffff, v9;
	_ =	sdelay $0x2  }
0x70: {  	s24 =	simm.s32 $0x3FE  }
0x71: {  	v8 =	vmov s24  }
0x72: {  	v8 =	vand.u32 $0xFFFFFFFE, v8  }
0x73: {  	v62 =	vbroadcast v8, $0x0;
	v10, _, _ =	vpop (xrf0)  }
0x74: {  	(v2sf) =	vpush v10, $0xF  }
0x75: {  	s26 =	simm.s32 $0x3FD0;
	s25 =	spop (v2sf)  }
0x76: {  	v8 =	vor.u32 s26, v1;
	s6 =	sadd.s32 $0x0, s25;
	v9 =	vsub.s32 v10, v9  }
0x77: {  	v9 =	vadd.s32 s6, v9  }
0x78: {  	v63 =	vmov s6;
	[tilespmem:v11+s16+$0x0] =	vst.idx.msk $0xffff, v9;
	v9 =	vbroadcast v10, $0xF  }
0x79: {  	[tilespmem:v62+s12+$0x0] =	vst.idx.msk $0x1, v63  }
0x7a: {  	[tilespmem:v62+s18+$0x0] =	vst.idx.msk $0x1, v9  }
0x7b: {  	v10 =	vld.idx.msk [tilespmem:v8+s8+$0x0], $0xffff;
	_ =	sdelay $0x4  }
0x7c: {  	(xrf0) =	vadd.scan.msk.s32 $0xffff, v10;
	_ =	sdelay $0x1  }
0x7d: {  	s7 =	simm.s32 $0x3FD;
	s5 =	simm.s32 $0x3FA  }
0x7e: {  	s4 =	simm.s32 $0x3FC0;
	s2 =	simm.s32 $0x3FC;
	v9 =	vmov s7;
	s7 =	spop (v2sf)  }
.LBB2_13:
0x7f: {  	p0 =	sne.s32 s5, $0x0  }
0x80: {  	s6 =	sadd.s32 s6, s7;
	s7 =	smov.u32 s5;
	s5 =	sadd.s32 $0xFFFFFFFE, s5  }
0x81: {  	v11 =	vor.u32 s4, v1;
	v10 =	vsub.s32 s6, v10;
	v12, _, _ =	vpop (xrf0)  }
0x82: {  	v10 =	vadd.s32 v12, v10;
	(v2sf) =	vpush v12, $0xF  }
0x83: {  	v13 =	vmov s6;
	[tilespmem:v8+s16+$0x0] =	vst.idx.msk $0xffff, v10;
	v8 =	vbroadcast v12, $0xF  }
0x84: {  	[tilespmem:v9+s12+$0x0] =	vst.idx.msk $0x1, v13  }
0x85: {  	[tilespmem:v9+s18+$0x0] =	vst.idx.msk $0x1, v8  }
0x86: {  	v9 =	vld.idx.msk [tilespmem:v11+s8+$0x0], $0xffff;
	_ =	sdelay $0x5  }
0x87: {  	(xrf0) =	vadd.scan.msk.s32 $0xffff, v9;
	_ =	sdelay $0x1  }
0x88: {  	v8 =	vmov s2;
	s2 =	smov.u32 s7  }
0x89: {  	v8 =	vand.u32 $0xFFFFFFFE, v8  }
0x8a: {  	v10 =	vbroadcast v8, $0x0  }
0x8b: {  	s4 =	sadd.s32 $0xFFFFFFE0, s4;
	s7 =	spop (v2sf)  }
0x8c: {  	s9 =	sadd.s32 $0x10, s4;
	v12, _, _ =	vpop (xrf0)  }
0x8d: {  	v8 =	vor.u32 s9, v1;
	s6 =	sadd.s32 s6, s7;
	v9 =	vsub.s32 v12, v9;
	(v2sf) =	vpush v12, $0xF  }
0x8e: {  	v9 =	vadd.s32 s6, v9  }
0x8f: {  	v13 =	vmov s6;
	[tilespmem:v11+s16+$0x0] =	vst.idx.msk $0xffff, v9;
	v9 =	vbroadcast v12, $0xF  }
0x90: {  	[tilespmem:v10+s12+$0x0] =	vst.idx.msk $0x1, v13  }
0x91: {  	[tilespmem:v10+s18+$0x0] =	vst.idx.msk $0x1, v9  }
0x92: {  	v10 =	vld.idx.msk [tilespmem:v8+s8+$0x0], $0xffff;
	_ =	sdelay $0x5  }
.Ltmp8:
0x93: {  	(xrf0) =	vadd.scan.msk.s32 $0xffff, v10;
	(pc) =	sbr.rel @p0 .LBB2_13-.Ltmp8, $3  }
0x94: {  	_ =	sdelay $0x1  }
0x95: {  	s7 =	sadd.s32 $0x1, s2  }
0x96: {  	v9 =	vmov s7;
	s7 =	spop (v2sf)  }
0x97: {  	_ = 	snop  }
0x98: {  	s5 =	sadd.s32 s6, s7  }
0x99: {  	v11 =	vor.u32 s4, v1;
	v10 =	vsub.s32 s5, v10;
	v12, _, _ =	vpop (xrf0)  }
0x9a: {  	v10 =	vadd.s32 v12, v10;
	(v2sf) =	vpush v12, $0xF  }
0x9b: {  	v13 =	vmov s5;
	[tilespmem:v8+s16+$0x0] =	vst.idx.msk $0xffff, v10;
	v8 =	vbroadcast v12, $0xF  }
0x9c: {  	[tilespmem:v9+s12+$0x0] =	vst.idx.msk $0x1, v13  }
0x9d: {  	[tilespmem:v9+s18+$0x0] =	vst.idx.msk $0x1, v8  }
0x9e: {  	v8 =	vld.idx.msk [tilespmem:v11+s8+$0x0], $0xffff;
	_ =	sdelay $0x4  }
0x9f: {  	(xrf0) =	vadd.scan.msk.s32 $0xffff, v8;
	_ =	sdelay $0x1  }
0xa0: {  	v9 =	vmov s2  }
0xa1: {  	v9 =	vand.u32 $0xFFFFFFFE, v9  }
0xa2: {  	v9 =	vbroadcast v9, $0x0  }
0xa3: {  	s14 =	simm.s32 $0x0  }
0xa4: {  	v59 =	vor.u32 s14, v1;
	s15 =	spop (v2sf);
	v10, _, _ =	vpop (xrf0)  }
0xa5: {  	v60 =	vand.u32 v5, v59;
	s17 =	sadd.s32 s5, s15;
	v8 =	vsub.s32 v10, v8  }
0xa6: {  	v8 =	vadd.s32 s17, v8  }
0xa7: {  	v14 =	vmov s17;
	[tilespmem:v11+s16+$0x0] =	vst.idx.msk $0xffff, v8;
	v8 =	vbroadcast v10, $0xF  }
0xa8: {  	[tilespmem:v9+s12+$0x0] =	vst.idx.msk $0x1, v14  }
0xa9: {  	s4 =	simm.s32 $0x0;
	[tilespmem:v9+s18+$0x0] =	vst.idx.msk $0x1, v8  }
0xaa: {  	v9 =	vld.idx.msk [tilespmem:v60+s4+$0x0], $0xffff;
	_ =	sdelay $0x4  }
0xab: {  	v8 =	vmul.f32 $1.024000000e+03, v9;
	_ =	sdelay $0x1  }
0xac: {  	v8 =	vtrunc.f32 v8  }
0xad: {  	v8 =	vcvt.f32.s32 v8;
	_ =	sdelay $0x1  }
0xae: {  	vm0 =	vlt.s32 v8, $0x3FF  }
0xaf: {  	v8 =	vnsel vm0, $0x3FF, v8  }
0xb0: {  	v8 =	vshll.u32 v8, $0x4  }
0xb1: {  	v11 =	vor.u32 v1, v8;
	_ =	sdelay $0x4  }
0xb2: {  	v61 =	vld.idx.msk [tilespmem:v11+s16+$0x0], $0xffff;
	_ =	sdelay $0x2  }
0xb3: {  	s24 =	simm.s32 $0x10  }
0xb4: {  	v8 =	vor.u32 s24, v1  }
0xb5: {  	v62 =	vand.u32 v6, v8  }
0xb6: {  	v15 =	vadd.s32 $0x1, v61  }
0xb7: {  	[tilespmem:v11+s16+$0x0] =	vst.idx.msk $0xffff, v15  }
0xb8: {  	[tilespmem:v61+s19+$0x0] =	vst.idx.msk $0xffff, v9  }
0xb9: {  	[tilespmem:v61+s20+$0x0] =	vst.idx.msk $0xffff, v59  }
0xba: {  	v12 =	vld.idx.msk [tilespmem:v62+s4+$0x0], $0xffff;
	_ =	sdelay $0x4  }
0xbb: {  	v9 =	vmul.f32 $1.024000000e+03, v12;
	_ =	sdelay $0x1  }
0xbc: {  	v9 =	vtrunc.f32 v9  }
0xbd: {  	v9 =	vcvt.f32.s32 v9;
	_ =	sdelay $0x1  }
0xbe: {  	vm15 =	vlt.s32 v9, $0x3FF  }
0xbf: {  	v9 =	vnsel vm15, $0x3FF, v9  }
0xc0: {  	(v2sf) =	vpush v10, $0xF;
	v9 =	vshll.u32 v9, $0x4  }
0xc1: {  	v11 =	vor.u32 v1, v9;
	_ =	sdelay $0x4  }
0xc2: {  	v10 =	vld.idx.msk [tilespmem:v11+s16+$0x0], $0xffff;
	_ =	sdelay $0x3  }
0xc3: {  	s25 =	simm.s32 $0x20  }
0xc4: {  	v9 =	vor.u32 s25, v1;
	v63 =	vadd.s32 $0x1, v10  }
0xc5: {  	[tilespmem:v11+s16+$0x0] =	vst.idx.msk $0xffff, v63;
	v11 =	vand.u32 v5, v9;
	_ =	sdelay $0x1  }
0xc6: {  	s6 =	simm.s32 $0x50  }
0xc7: {  	s2 =	simm.s32 $0x0;
	s5 =	simm.s32 $0x30;
	s26 =	spop (v2sf);
	[tilespmem:v10+s19+$0x0] =	vst.idx.msk $0xffff, v12  }
.LBB2_15:
0xc8: {  	p0 =	sne.s32 s6, $0x50F0;
	[tilespmem:v10+s20+$0x0] =	vst.idx.msk $0xffff, v8;
	s7 =	smov.u32 s6;
	s6 =	sadd.s32 $0x20, s6  }
0xc9: {  	v10 =	vld.idx.msk [tilespmem:v11+s2+$0x0], $0xffff;
	_ =	sdelay $0x5  }
0xca: {  	v8 =	vmul.f32 $1.024000000e+03, v10;
	_ =	sdelay $0x1  }
0xcb: {  	v8 =	vtrunc.f32 v8  }
0xcc: {  	v8 =	vcvt.f32.s32 v8;
	_ =	sdelay $0x1  }
0xcd: {  	vm0 =	vlt.s32 v8, $0x3FF  }
0xce: {  	v8 =	vnsel vm0, $0x3FF, v8  }
0xcf: {  	v8 =	vshll.u32 v8, $0x4  }
0xd0: {  	v11 =	vor.u32 v1, v8;
	_ =	sdelay $0x4  }
0xd1: {  	v12 =	vld.idx.msk [tilespmem:v11+s16+$0x0], $0xffff;
	_ =	sdelay $0x3  }
0xd2: {  	v8 =	vor.u32 s5, v1;
	s5 =	smov.u32 s7  }
0xd3: {  	v13 =	vand.u32 v6, v8  }
0xd4: {  	v14 =	vadd.s32 $0x1, v12  }
0xd5: {  	[tilespmem:v11+s16+$0x0] =	vst.idx.msk $0xffff, v14  }
0xd6: {  	[tilespmem:v12+s19+$0x0] =	vst.idx.msk $0xffff, v10  }
0xd7: {  	[tilespmem:v12+s20+$0x0] =	vst.idx.msk $0xffff, v9  }
0xd8: {  	v12 =	vld.idx.msk [tilespmem:v13+s2+$0x0], $0xffff;
	s2 =	smov.u32 s4;
	_ =	sdelay $0x5  }
0xd9: {  	v9 =	vmul.f32 $1.024000000e+03, v12;
	_ =	sdelay $0x1  }
0xda: {  	v9 =	vtrunc.f32 v9  }
0xdb: {  	v9 =	vcvt.f32.s32 v9;
	_ =	sdelay $0x1  }
0xdc: {  	vm0 =	vlt.s32 v9, $0x3FF  }
0xdd: {  	v9 =	vnsel vm0, $0x3FF, v9  }
0xde: {  	v9 =	vshll.u32 v9, $0x4  }
0xdf: {  	v13 =	vor.u32 v1, v9;
	_ =	sdelay $0x4  }
0xe0: {  	v10 =	vld.idx.msk [tilespmem:v13+s16+$0x0], $0xffff;
	_ =	sdelay $0x2  }
0xe1: {  	s7 =	sadd.s32 $0xFFFFFFF0, s5  }
.Ltmp9:
0xe2: {  	v9 =	vor.u32 s7, v1;
	(pc) =	sbr.rel @p0 .LBB2_15-.Ltmp9, $4  }
0xe3: {  	v11 =	vand.u32 v5, v9  }
0xe4: {  	v14 =	vadd.s32 $0x1, v10  }
0xe5: {  	[tilespmem:v13+s16+$0x0] =	vst.idx.msk $0xffff, v14  }
0xe6: {  	[tilespmem:v10+s19+$0x0] =	vst.idx.msk $0xffff, v12  }
0xe7: {  	_ =	sdelay $0x3  }
0xe8: {  	[tilespmem:v10+s20+$0x0] =	vst.idx.msk $0xffff, v8  }
0xe9: {  	v8 =	vld.idx.msk [tilespmem:v11+s2+$0x0], $0xffff;
	_ =	sdelay $0x4  }
0xea: {  	v60 =	vmul.f32 $1.024000000e+03, v8;
	_ =	sdelay $0x1  }
0xeb: {  	v10 =	vtrunc.f32 v60  }
0xec: {  	v10 =	vcvt.f32.s32 v10;
	_ =	sdelay $0x1  }
0xed: {  	vm0 =	vlt.s32 v10, $0x3FF  }
0xee: {  	v10 =	vnsel vm0, $0x3FF, v10  }
0xef: {  	v10 =	vshll.u32 v10, $0x4  }
0xf0: {  	v10 =	vor.u32 v1, v10;
	_ =	sdelay $0x4  }
0xf1: {  	v61 =	vld.idx.msk [tilespmem:v10+s16+$0x0], $0xffff;
	_ =	sdelay $0x3  }
0xf2: {  	v12 =	vor.u32 s5, v1  }
0xf3: {  	v13 =	vand.u32 v6, v12  }
0xf4: {  	v14 =	vadd.s32 $0x1, v61  }
0xf5: {  	[tilespmem:v10+s16+$0x0] =	vst.idx.msk $0xffff, v14  }
0xf6: {  	[tilespmem:v61+s19+$0x0] =	vst.idx.msk $0xffff, v8  }
0xf7: {  	[tilespmem:v61+s20+$0x0] =	vst.idx.msk $0xffff, v9  }
0xf8: {  	v8 =	vld.idx.msk [tilespmem:v13+s2+$0x0], $0xffff;
	_ =	sdelay $0x4  }
0xf9: {  	v62 =	vmul.f32 $1.024000000e+03, v8;
	_ =	sdelay $0x1  }
0xfa: {  	v9 =	vtrunc.f32 v62  }
0xfb: {  	v9 =	vcvt.f32.s32 v9;
	_ =	sdelay $0x1  }
0xfc: {  	vm15 =	vlt.s32 v9, $0x3FF  }
0xfd: {  	v9 =	vnsel vm15, $0x3FF, v9  }
0xfe: {  	v9 =	vshll.u32 v9, $0x4  }
0xff: {  	v9 =	vor.u32 v1, v9;
	_ =	sdelay $0x4  }
0x100: {  	v10 =	vld.idx.msk [tilespmem:v9+s16+$0x0], $0xffff;
	_ =	sdelay $0x4  }
.Ltmp10:
0x101: {  	_ = 	snop;
	(pc) =	sbr.rel .LBB2_17-.Ltmp10, $4  }
0x102: {  	v63 =	vadd.s32 $0x1, v10  }
0x103: {  	[tilespmem:v9+s16+$0x0] =	vst.idx.msk $0xffff, v63  }
0x104: {  	[tilespmem:v10+s19+$0x0] =	vst.idx.msk $0xffff, v8  }
0x105: {  	s5 =	simm.s32 $0x3FF;
	[tilespmem:v10+s20+$0x0] =	vst.idx.msk $0xffff, v12  }
.LBB2_82:
0x106: {  	s4 =	smov.u32 @p1 s4  }
0x107: {  	s11 =	simm.s32 $0x1D800;
	s12 =	simm.s32 $0xD100;
	s5 =	rddreg [dreg:$0x7]  }
.LBB2_83:
0x108: {  	p0 =	sne.s32 s5, $0x0;
	p1 =	sgt.s32 s4, $0x12B  }
0x109: {  	p0 =	por p1, !p0  }
0x10a: {  	p1 =	slt.s32 @!p0 s6, $0x1770  }
0x10b: {  	p0 =	por p0, !p1  }
.Ltmp11:
0x10c: {  	_ = 	snop;
	(pc) =	sbr.rel @p0 .LBB2_84-.Ltmp11, $2  }
0x10d: {  	_ =	sdelay $0x2  }
0x10e: {  	s5 =	sadd.s32 $0xFFFFFFFF, s5  }
.LBB2_17:
0x10f: {  	v8 =	vmov s5  }
0x110: {  	v8 =	vand.u32 $0x7FFFFFFF, v8  }
0x111: {  	v8 =	vbroadcast v8, $0x0;
	_ =	sdelay $0x5  }
0x112: {  	v9 =	vld.idx.msk [tilespmem:v8+s12+$0x0], $0xffff  }
0x113: {  	v8 =	vld.idx.msk [tilespmem:v8+s18+$0x0], $0xffff;
	_ =	sdelay $0x3  }
0x114: {  	(v2sf) =	vpush v9, $0x0  }
0x115: {  	(v2sf) =	vpush v8, $0x0;
	_ =	sdelay $0xd  }
0x116: {  	s6 =	spop (v2sf)  }
0x117: {  	s7 =	spop (v2sf);
	s2 =	ssub.s32 $0x1770, s6  }
0x118: {  	p0 =	slt.s32 s7, s2  }
0x119: {  	s2 =	smov.u32 @p0 s7;
	p0 =	sgt.s32 s6, $0x176F  }
0x11a: {  	p1 =	slt.s32 @!p0 s2, $0x1  }
0x11b: {  	p1 =	por p0, p1  }
.Ltmp12:
0x11c: {  	_ = 	snop;
	(pc) =	sbr.rel @p1 .LBB2_18-.Ltmp12, $1  }
0x11d: {  	_ =	sdelay $0x3  }
0x11e: {  	s26 =	sadd.s32 $0xF, s7  }
.Ltmp13:
0x11f: {  	s26 =	sshra.s32 s26, $0x4;
	(pc) =	sbr.rel .LBB2_20-.Ltmp13, $4  }
0x120: {  	p0 =	slt.s32 s26, $0x1  }
0x121: {  	[dreg:$0x7] =	wrdreg s5;
	s5 =	simm.s32 @!p0 $0x0  }
0x122: {  	s5 =	simm.s32 @p0 $0x1  }
0x123: {  	v8 =	vbroadcast v8, $0x0;
	v9 =	vbroadcast v9, $0x0;
	s11 =	simm.s32 $0x0;
	[smem:$0x7FD] =	sst s5  }
.LBB2_71:
0x124: {  	v16 =	vimm.s32 $0x80000000  }
.LBB2_81:
0x125: {  	(xrf0) =	vmax.scan.msk.u32 $0xffff, v16;
	_ =	sdelay $0x5  }
0x126: {  	v16, _, _ =	vpop (xrf0)  }
0x127: {  	(v2sf) =	vpush v16, $0xF;
	_ =	sdelay $0xe  }
0x128: {  	s5 =	spop (v2sf)  }
0x129: {  	p0 =	sne.s32 s5, $0x80000000  }
0x12a: {  	v16 =	vmov @!p0 s4  }
0x12b: {  	p1 =	seq.s32 s5, $0x80000000;
	s5 =	simm.s32 $0x1;
	v17 =	vimm.s32 @!p0 $0x3020100  }
0x12c: {  	s11 =	sadd.s32 $0x1, s11;
	s5 =	simm.s32 @!p1 $0x0;
	v17 =	vunpack.c.0.s8.s32 @!p0 v17  }
0x12d: {  	vm0 =	vcmask @!p0 $0xF00;
	s13 =	sshll.u32 @!p0 s4, $0x2;
	p1 =	sge.s32 s11, s2;
	s4 =	sadd.s32 s5, s4  }
0x12e: {  	s9 =	simm.s32 @!p0 $0x1D300;
	p2 =	slt.s32 @!p1 s4, $0x12C;
	v17 =	vnsel @!p0 vm0, $0x3, v17;
	vm0 =	vcmask @!p0 $0x3F0C  }
0x12f: {  	p2 =	por p1, !p2;
	[tilespmem:v16+s9+$0x0] =	vst.idx.msk @!p0 $0x1, v15;
	v15 =	vor.u32 @!p0 s13, v17;
	s9 =	simm.s32 @!p0 $0x1D440;
	v17 =	vsel @!p0 vm0, v12, v13;
	vm0 =	vcmask @!p0 $0x3F08  }
.Ltmp14:
0x130: {  	[tilespmem:v16+s9+$0x0] =	vst.idx.msk @!p0 $0x1, v14;
	v14 =	vsel @!p0 vm0, v17, v14;
	vm0 =	vmmov @!p0 $0x1;
	s9 =	simm.s32 @!p0 $0x1D580;
	(pc) =	sbr.rel @p2 .LBB2_82-.Ltmp14, $4  }
0x131: {  	[tilespmem:v16+s9+$0x0] =	vst.idx.msk @!p0 $0x1, v13;
	s9 =	simm.s32 @!p0 $0x1D6C0;
	v10 =	vsel @!p0 vm0, v10, v14  }
0x132: {  	s5 =	simm.s32 @!p0 $0x1D800;
	[tilespmem:v16+s9+$0x0] =	vst.idx.msk @!p0 $0x1, v12;
	v10 =	vmul.f32 @!p0 s12, v10  }
0x133: {  	[tilespmem:v16+s5+$0x0] =	vst.idx.msk @!p0 $0x1, v11;
	s5 =	simm.s32 @!p0 $0x1D940  }
0x134: {  	[tilespmem:v15+s5+$0x0] =	vst.idx.msk @!p0 $0xf, v10  }
.LBB2_20:
0x135: {  	s5 =	sld [smem:$0x7FD];
	_ =	sdelay $0x2  }
0x136: {  	p0 =	seq.s32 s5, $0x1  }
.Ltmp15:
0x137: {  	_ = 	snop;
	(pc) =	sbr.rel @p0 .LBB2_21-.Ltmp15, $2  }
0x138: {  	_ =	sdelay $0x2  }
0x139: {  	s12 =	simm.f32 $-1.000000000e+00;
	s9 =	simm.s32 $0x40000000  }
0x13a: {  	p4 =	sne.s32 s26, $0x1  }
.Ltmp16:
0x13b: {  	_ = 	snop;
	(pc) =	sbr.rel @!p4 .LBB2_23-.Ltmp16, $4  }
0x13c: {  	v11 =	vor.u32 s28, v1  }
0x13d: {  	v10 =	vadd.s32 v9, v11  }
0x13e: {  	s5 =	sadd.s32 $0xFFFFFFFF, s26;
	s13 =	simm.s32 $0x10;
	p1 =	por $0x0, $0x0;
	vm0 =	vlt.s32 v10, $0x50FF  }
0x13f: {  	p3 =	por $0x0, $0x0;
	p2 =	por $0x0, $0x0;
	p5 =	por $0x0, $0x0;
	v34 =	vnsel vm0, $0x50FF, v10  }
0x140: {  	p4 =	sne.s32 s5, $0x1  }
.Ltmp17:
0x141: {  	_ = 	snop;
	(pc) =	sbr.rel @!p4 .LBB2_25-.Ltmp17, $4  }
0x142: {  	v35 =	vor.u32 s13, v1  }
0x143: {  	v10 =	vadd.s32 v9, v35  }
0x144: {  	vm0 =	vlt.s32 v10, $0x50FF  }
0x145: {  	s5 =	sadd.s32 $0xFFFFFFFF, s5;
	v20 =	vld.idx.msk [tilespmem:v34+s19+$0x0], $0xffff;
	s13 =	simm.s32 $0x20;
	p1 =	por $0x1, $0x1;
	v17 =	vnsel vm0, $0x50FF, v10  }
0x146: {  	p4 =	sne.s32 s5, $0x1  }
.Ltmp18:
0x147: {  	_ = 	snop;
	(pc) =	sbr.rel @!p4 .LBB2_27-.Ltmp18, $4  }
0x148: {  	v14 =	vor.u32 s13, v1  }
0x149: {  	vm0 =	vlt.s32 v11, v8;
	v10 =	vadd.s32 v9, v14  }
0x14a: {  	v12 =	vld.idx.msk [tilespmem:v17+s19+$0x0], $0xffff;
	vm1 =	vlt.s32 v10, $0x50FF;
	v16 =	vnsel vm0, $0xBF800000, v20  }
0x14b: {  	s5 =	sadd.s32 $0xFFFFFFFF, s5;
	v23 =	vld.idx.msk [tilespmem:v34+s20+$0x0], $0xffff;
	s13 =	simm.s32 $0x30;
	v15 =	vnsel vm1, $0x50FF, v10;
	(xrf0) =	vmax.scan.msk.f32 $0xffff, v16  }
0x14c: {  	_ = 	snop  }
0x14d: {  	p4 =	sne.s32 s5, $0x1  }
.Ltmp19:
0x14e: {  	_ = 	snop;
	(pc) =	sbr.rel @!p4 .LBB2_29-.Ltmp19, $4  }
0x14f: {  	v10 =	vor.u32 s13, v1  }
0x150: {  	vm0 =	vlt.s32 v35, v8;
	v18 =	vadd.s32 v9, v10  }
0x151: {  	v20 =	vld.idx.msk [tilespmem:v15+s19+$0x0], $0xffff;
	vm1 =	vlt.s32 v18, $0x50FF;
	v13 =	vnsel vm0, $0xBF800000, v12;
	v21 =	vshll.u32 v23, $0xF;
	v33, _, _ =	vpop (xrf0)  }
0x152: {  	s5 =	sadd.s32 $0xFFFFFFFF, s5;
	s13 =	simm.s32 $0x40;
	p3 =	por $0x1, $0x1;
	v12 =	vnsel vm1, $0x50FF, v18;
	v23 =	vld.idx.msk [tilespmem:v17+s20+$0x0], $0xffff;
	(xrf0) =	vmax.scan.msk.f32 $0xffff, v13;
	v22 =	vor.u32 v11, v21;
	v19 =	vbroadcast v33, $0xF  }
0x153: {  	_ = 	snop  }
0x154: {  	v11 =	vxor.u32 $0x80000000, v22;
	p4 =	sne.s32 s5, $0x1;
	vm0 =	veq.f32 v16, v19  }
.Ltmp20:
0x155: {  	v11 =	vnsel vm0, $0xC0000000, v11;
	(pc) =	sbr.rel @!p4 .LBB2_31-.Ltmp20, $4  }
0x156: {  	v36 =	vor.u32 s13, v1  }
0x157: {  	vm1 =	vlt.s32 v14, v8;
	v16 =	vadd.s32 v9, v36  }
0x158: {  	v17 =	vld.idx.msk [tilespmem:v12+s19+$0x0], $0xffff;
	vm15 =	vlt.s32 v16, $0x50FF;
	v25 =	vnsel vm1, $0xBF800000, v20;
	(xrf0) =	vmin.scan.msk.u32 $0xffff, v11;
	v18 =	vshll.u32 v23, $0xF;
	v11, _, _ =	vpop (xrf0)  }
0x159: {  	s5 =	sadd.s32 $0xFFFFFFFF, s5;
	s13 =	simm.s32 $0x50;
	p2 =	por $0x1, $0x1;
	v24 =	vnsel vm15, $0x50FF, v16;
	v23 =	vld.idx.msk [tilespmem:v15+s20+$0x0], $0xffff;
	(xrf0) =	vmax.scan.msk.f32 $0xffff, v25;
	v22 =	vor.u32 v35, v18;
	v19 =	vbroadcast v11, $0xF  }
0x15a: {  	_ = 	snop  }
0x15b: {  	p4 =	sne.s32 s5, $0x1  }
.Ltmp21:
0x15c: {  	v18 =	vor.u32 s13, v1;
	vm1 =	vlt.s32 v10, v8;
	(pc) =	sbr.rel @!p4 .LBB2_33-.Ltmp21, $4  }
0x15d: {  	vm0 =	veq.f32 v13, v19;
	v13 =	vxor.u32 $0x80000000, v22;
	v16 =	vadd.s32 v9, v18  }
0x15e: {  	v13 =	vnsel vm0, $0xC0000000, v13;
	vm15 =	vlt.s32 v16, $0x50FF;
	v15 =	vnsel vm1, $0xBF800000, v17;
	v19, _, _ =	vpop (xrf0)  }
0x15f: {  	v20 =	vld.idx.msk [tilespmem:v24+s19+$0x0], $0xffff;
	v31 =	vnsel vm15, $0x50FF, v16;
	(xrf0) =	vmin.scan.msk.u32 $0xffff, v13;
	v13 =	vshll.u32 v23, $0xF;
	v17, _, _ =	vpop (xrf0);
	(v2sf) =	vpush v19, $0xF  }
0x160: {  	s5 =	sadd.s32 $0xFFFFFFFF, s5;
	s13 =	simm.s32 $0x60;
	v23 =	vld.idx.msk [tilespmem:v12+s20+$0x0], $0xffff;
	(xrf0) =	vmax.scan.msk.f32 $0xffff, v15;
	v22 =	vor.u32 v14, v13;
	v19 =	vbroadcast v17, $0xF;
	(v2sf) =	vpush v33, $0xF  }
0x161: {  	_ =	sdelay $0x3  }
0x162: {  	v16, _, _ =	vpop (xrf0)  }
0x163: {  	(v2sf) =	vpush v16, $0xF  }
0x164: {  	(v2sf) =	vpush v11, $0xF;
	_ =	sdelay $0x6  }
0x165: {  	p4 =	sne.s32 s5, $0x1  }
.Ltmp22:
0x166: {  	v37 =	vor.u32 s13, v1;
	(pc) =	sbr.rel @!p4 .LBB2_35-.Ltmp22, $4  }
0x167: {  	v12 =	vxor.u32 $0x80000000, v22;
	p0 =	por $0x1, $0x1;
	vm0 =	veq.f32 v25, v19;
	v13 =	vadd.s32 v9, v37  }
0x168: {  	vm1 =	vlt.s32 v36, v8;
	s14 =	simm.s32 @!p0 $0x0;
	v12 =	vnsel vm0, $0xC0000000, v12;
	vm15 =	vlt.s32 v13, $0x50FF  }
0x169: {  	s14 =	simm.s32 @p0 $0x1;
	v25 =	vnsel vm1, $0xBF800000, v20;
	v20 =	vld.idx.msk [tilespmem:v31+s19+$0x0], $0xffff;
	(xrf0) =	vmin.scan.msk.u32 $0xffff, v12;
	v12 =	vnsel vm15, $0x50FF, v13;
	v13 =	vshll.u32 v23, $0xF;
	v14, _, _ =	vpop (xrf0)  }
0x16a: {  	s5 =	sadd.s32 $0xFFFFFFFF, s5;
	s13 =	simm.s32 $0x70;
	[smem:$0x7FB] =	sst s14;
	v23 =	vld.idx.msk [tilespmem:v24+s20+$0x0], $0xffff;
	(xrf0) =	vmax.scan.msk.f32 $0xffff, v25;
	v26 =	vor.u32 v10, v13;
	v24 =	vbroadcast v14, $0xF  }
0x16b: {  	_ =	sdelay $0x3  }
0x16c: {  	v19, _, _ =	vpop (xrf0)  }
0x16d: {  	(v2sf) =	vpush v19, $0xF  }
0x16e: {  	(v2sf) =	vpush v17, $0xF;
	_ =	sdelay $0x2  }
0x16f: {  	p0 =	por $0x1, $0x1;
	p4 =	sne.s32 s5, $0x1  }
.Ltmp23:
0x170: {  	s14 =	simm.s32 @!p0 $0x0;
	(pc) =	sbr.rel @!p4 .LBB2_37-.Ltmp23, $4  }
0x171: {  	v10 =	vor.u32 s13, v1;
	v13 =	vxor.u32 $0x80000000, v26;
	vm0 =	veq.f32 v15, v24;
	s14 =	simm.s32 @p0 $0x1;
	p0 =	por $0x1, $0x1  }
0x172: {  	vm1 =	vlt.s32 v18, v8;
	v16 =	vadd.s32 v9, v10;
	v13 =	vnsel vm0, $0xC0000000, v13;
	[smem:$0x7FC] =	sst s14;
	s14 =	simm.s32 @!p0 $0x0  }
0x173: {  	v31 =	vld.idx.msk [tilespmem:v31+s20+$0x0], $0xffff;
	vm15 =	vlt.s32 v16, $0x50FF;
	v29 =	vnsel vm1, $0xBF800000, v20;
	(xrf0) =	vmin.scan.msk.u32 $0xffff, v13;
	v13 =	vshll.u32 v23, $0xF;
	s14 =	simm.s32 @p0 $0x1;
	v28, _, _ =	vpop (xrf0)  }
0x174: {  	s5 =	sadd.s32 $0xFFFFFFFF, s5;
	s13 =	simm.s32 $0x80;
	v20 =	vld.idx.msk [tilespmem:v12+s19+$0x0], $0xffff;
	v35 =	vnsel vm15, $0x50FF, v16;
	(xrf0) =	vmax.scan.msk.f32 $0xffff, v29;
	v36 =	vor.u32 v36, v13;
	[smem:$0x7F9] =	sst s14;
	v32 =	vbroadcast v28, $0xF  }
0x175: {  	_ =	sdelay $0x2  }
0x176: {  	v13 =	vxor.u32 $0x80000000, v36;
	vm1 =	vlt.s32 v37, v8;
	vm0 =	veq.f32 v25, v32  }
0x177: {  	v19 =	vnsel vm0, $0xC0000000, v13;
	v13 =	vnsel vm1, $0xBF800000, v20;
	v20, _, _ =	vpop (xrf0)  }
0x178: {  	(v2sf) =	vpush v20, $0xF  }
0x179: {  	(v2sf) =	vpush v14, $0xF;
	_ =	sdelay $0x2  }
0x17a: {  	s14 =	spop (v2sf);
	p5 =	sne.s32 s5, $0x1  }
.Ltmp24:
0x17b: {  	v38 =	vor.u32 s13, v1;
	s15 =	sxor.u32 $0x80000000, s14;
	s13 =	spop (v2sf);
	(pc) =	sbr.rel @!p5 .LBB2_39-.Ltmp24, $4  }
0x17c: {  	s25 =	simm.s32 $0x40000000;
	v23 =	vld.idx.msk [tilespmem:v12+s20+$0x0], $0xffff;
	v16 =	vadd.s32 v9, v38;
	p6 =	seq.f32 s13, s12;
	p0 =	slt.s32 s15, $0x40000000;
	v12 =	vshll.u32 v31, $0xF  }
0x17d: {  	s17 =	simm.s32 $0x40000000;
	vm15 =	vlt.s32 v16, $0x50FF;
	p4 =	sgt.f32 s13, s12;
	s25 =	smov.u32 @p0 s15;
	(xrf0) =	vmin.scan.msk.u32 $0xffff, v19  }
0x17e: {  	s24 =	sadd.s32 $0xFFFFFFFF, s5;
	v30 =	vnsel vm15, $0x50FF, v16;
	s17 =	smov.u32 @p6 s25;
	v21, _, _ =	vpop (xrf0);
	v20 =	vld.idx.msk [tilespmem:v35+s19+$0x0], $0xffff;
	(xrf0) =	vmax.scan.msk.f32 $0xffff, v13  }
0x17f: {  	s5 =	simm.s32 $0x90;
	v33 =	vmovc v28;
	v22 =	vor.u32 v18, v12;
	v16 =	vmovc v29;
	s17 =	smov.u32 @p4 s15;
	s15 =	simm.f32 $-1.000000000e+00;
	v19 =	vbroadcast v21, $0xF;
	v12 =	vmov v30  }
.LBB2_40:
0x180: {  	p5 =	sne.s32 s24, $0x1  }
0x181: {  	v27 =	vor.u32 s5, v1;
	s24 =	sadd.s32 $0xFFFFFFFF, s24;
	vm0 =	veq.f32 v16, v19;
	v40 =	vxor.u32 $0x80000000, v22;
	s25 =	spop (v2sf);
	v16 =	vmovc v13;
	v34 =	vmovc v21;
	s15 =	smax.f32 s15, s13  }
.Ltmp25:
0x182: {  	vm1 =	vlt.s32 v10, v8;
	v39 =	vadd.s32 v9, v27;
	v22 =	vnsel vm0, $0xC0000000, v40;
	s25 =	sxor.u32 $0x80000000, s25;
	s13 =	spop (v2sf);
	(pc) =	sbr.rel @p5 .LBB2_40-.Ltmp25, $4  }
0x183: {  	s14 =	smov.u32 s17;
	v13 =	vnsel vm1, $0xBF800000, v20;
	vm0 =	vlt.s32 v39, $0x50FF;
	v20 =	vld.idx.msk [tilespmem:v30+s19+$0x0], $0xffff;
	(xrf0) =	vmin.scan.msk.u32 $0xffff, v22;
	v19, _, _ =	vpop (xrf0);
	p4 =	seq.f32 s13, s15;
	p0 =	slt.s32 s25, s17  }
0x184: {  	p6 =	sgt.f32 s13, s15;
	v30 =	vnsel vm0, $0x50FF, v39;
	(xrf0) =	vmax.scan.msk.f32 $0xffff, v13;
	v21, _, _ =	vpop (xrf0);
	(v2sf) =	vpush v19, $0xF;
	s14 =	smov.u32 @p0 s25  }
0x185: {  	v22 =	vshll.u32 v23, $0xF;
	v19 =	vbroadcast v21, $0xF;
	v23 =	vld.idx.msk [tilespmem:v35+s20+$0x0], $0xffff;
	(v2sf) =	vpush v33, $0xF;
	s17 =	smov.u32 @p4 s14;
	v35 =	vmovc v12;
	v12 =	vmovc v30  }
0x186: {  	s5 =	sadd.s32 $0x10, s5;
	v22 =	vor.u32 v37, v22;
	v37 =	vmovc v10;
	v10 =	vmovc v38;
	v38 =	vmov v27;
	v33 =	vmov v34;
	s17 =	smov.u32 @p6 s25  }
0x187: {  	p0 =	por $0x1, $0x1  }
0x188: {  	s5 =	simm.s32 @!p0 $0x0  }
0x189: {  	s5 =	simm.s32 @p0 $0x1  }
0x18a: {  	v27 =	vmovc v10;
	v34 =	vmov v35;
	v35 =	vmov v37;
	v10 =	vmov v38;
	p2 =	por $0x1, $0x1;
	p5 =	por $0x1, $0x1;
	[smem:$0x7FA] =	sst s5  }
.LBB2_42:
0x18b: {  	s5 =	sld [smem:$0x7F9];
	_ =	sdelay $0x2  }
0x18c: {  	p6 =	seq.s32 s5, $0x1  }
0x18d: {  	s13 =	smax.f32 @p5 s15, s13;
	s14 =	simm.f32 $-1.000000000e+00;
	s5 =	spop @p6 (v2sf)  }
0x18e: {  	s14 =	smov.u32 @p5 s13;
	s5 =	sxor.u32 @p6 $0x80000000, s5;
	s13 =	spop @p6 (v2sf)  }
0x18f: {  	p0 =	seq.f32 @p6 s13, s14;
	p4 =	slt.s32 @p6 s5, s17  }
0x190: {  	s15 =	smov.u32 s5;
	p5 =	sgt.f32 @p6 s13, s14;
	p4 =	por !p4, !p6  }
0x191: {  	s15 =	smov.u32 @p4 s17;
	p0 =	por !p0, !p6  }
0x192: {  	s15 =	smov.u32 @p0 s17;
	p0 =	por !p5, !p6  }
0x193: {  	s24 =	sld [smem:$0x7FB];
	s5 =	smov.u32 @p0 s15;
	s15 =	simm.s32 $0x40000000  }
0x194: {  	s13 =	smov.u32 @p6 s13;
	s15 =	smov.u32 @p6 s5;
	s5 =	simm.s32 @!p2 $0x0  }
0x195: {  	s13 =	smax.f32 @p6 s14, s13;
	p0 =	por p2, p2;
	s5 =	simm.s32 @p2 $0x1  }
0x196: {  	vm0 =	veq.f32 @p3 v16, v19;
	v16 =	vxor.u32 @p3 $0x80000000, v22;
	v19, _, _ =	vpop @p2 (xrf0);
	p2 =	por p3, p3;
	p3 =	seq.s32 s24, $0x1;
	s24 =	sld [smem:$0x7FA]  }
0x197: {  	s14 =	simm.f32 $-1.000000000e+00;
	[smem:$0x7F8] =	sst s5;
	s5 =	spop @p3 (v2sf)  }
0x198: {  	s14 =	smov.u32 @p6 s13;
	(v2sf) =	vpush @p0 v19, $0xF;
	v16 =	vnsel @p2 vm0, $0xC0000000, v16;
	s5 =	sxor.u32 @p3 $0x80000000, s5;
	s17 =	spop @p3 (v2sf)  }
0x199: {  	s25 =	sld [smem:$0x7FC];
	(v2sf) =	vpush @p0 v33, $0xF;
	p0 =	seq.f32 @p3 s17, s14;
	p4 =	slt.s32 @p3 s5, s15  }
0x19a: {  	s13 =	smov.u32 s5;
	p6 =	seq.s32 s24, $0x1;
	p4 =	por !p4, !p3  }
0x19b: {  	vm0 =	vlt.s32 @p1 v27, v8;
	(xrf0) =	vmin.scan.msk.u32 @p2 $0xffff, v16;
	p5 =	sgt.f32 @p3 s17, s14;
	v16, _, _ =	vpop @p6 (xrf0);
	s13 =	smov.u32 @p4 s15;
	p0 =	por !p0, !p3  }
0x19c: {  	v19 =	vnsel @p1 vm0, $0xBF800000, v20;
	v20 =	vbroadcast @p6 v16, $0xF;
	s13 =	smov.u32 @p0 s15  }
0x19d: {  	v22 =	vshll.u32 @p6 v23, $0xF;
	p0 =	por !p5, !p3;
	s15 =	smov.u32 @p3 s17;
	p5 =	seq.s32 s25, $0x1  }
0x19e: {  	v22 =	vor.u32 @p6 v35, v22;
	s5 =	smov.u32 @p0 s13;
	s13 =	simm.s32 $0x40000000;
	v20 =	vpsel p6, v20, v32;
	s14 =	smax.f32 @p3 s14, s15  }
0x19f: {  	v60 =	vld.idx.msk [tilespmem:v30+s19+$0x0], $0xffff;
	(xrf0) =	vmax.scan.msk.f32 @p1 $0xffff, v19;
	v13 =	vpsel p6, v13, v25;
	v22 =	vpsel p6, v22, v36;
	s15 =	simm.f32 $-1.000000000e+00;
	s13 =	smov.u32 @p3 s5;
	s5 =	spop @p5 (v2sf)  }
0x1a0: {  	v23 =	vld.idx.msk @p1 [tilespmem:v34+s20+$0x0], $0xffff;
	vm0 =	veq.f32 @p6 v13, v20;
	v13 =	vxor.u32 @p6 $0x80000000, v22;
	s15 =	smov.u32 @p3 s14;
	s5 =	sxor.u32 @p5 $0x80000000, s5;
	s17 =	spop @p5 (v2sf)  }
0x1a1: {  	v13 =	vnsel @p6 vm0, $0xC0000000, v13;
	v20, _, _ =	vpop @p2 (xrf0);
	p0 =	seq.f32 @p5 s17, s15;
	p4 =	slt.s32 @p5 s5, s13  }
0x1a2: {  	v21 =	vpsel p2, v21, v14;
	s14 =	smov.u32 s5;
	p3 =	sgt.f32 @p5 s17, s15;
	(v2sf) =	vpush @p2 v20, $0xF;
	p4 =	por !p4, !p5  }
0x1a3: {  	vm14 =	vlt.s32 v10, v8;
	(xrf0) =	vmin.scan.msk.u32 @p6 $0xffff, v13;
	(v2sf) =	vpush @p2 v21, $0xF;
	s14 =	smov.u32 @p4 s13;
	p0 =	por !p0, !p5  }
0x1a4: {  	v61 =	vnsel vm14, $0xBF800000, v60;
	v13 =	vmov @p1 v27;
	s14 =	smov.u32 @p0 s13;
	p0 =	por !p3, !p5  }
0x1a5: {  	v19 =	vpsel p1, v19, v29;
	v20 =	vpsel p1, v23, v31;
	v13 =	vpsel p1, v13, v18;
	v18, _, _ =	vpop @p1 (xrf0);
	s5 =	smov.u32 @p0 s14;
	s14 =	smov.u32 @p5 s17;
	s17 =	sld [smem:$0x7F8]  }
0x1a6: {  	v15 =	vpsel p1, v19, v15;
	v20 =	vshll.u32 @p1 v20, $0xF;
	(xrf0) =	vmax.scan.msk.f32 $0xffff, v61;
	v22 =	vbroadcast @p1 v18, $0xF  }
0x1a7: {  	s13 =	simm.s32 $0x40000000;
	v13 =	vor.u32 @p1 v13, v20  }
0x1a8: {  	v12 =	vld.idx.msk [tilespmem:v12+s20+$0x0], $0xffff;
	v13 =	vpsel p1, v13, v26;
	s13 =	smov.u32 @p5 s5;
	v19 =	vpsel p1, v22, v24;
	p3 =	seq.s32 s17, $0x1  }
0x1a9: {  	v16 =	vpsel p6, v16, v28;
	s14 =	smax.f32 @p5 s15, s14;
	s15 =	simm.f32 $-1.000000000e+00;
	v13 =	vxor.u32 @p1 $0x80000000, v13;
	vm0 =	veq.f32 @p1 v15, v19;
	v15, _, _ =	vpop @p6 (xrf0);
	s5 =	spop @p3 (v2sf)  }
0x1aa: {  	v16 =	vpsel p6, v16, v17;
	s15 =	smov.u32 @p5 s14;
	v13 =	vnsel @p1 vm0, $0xC0000000, v13;
	(v2sf) =	vpush @p6 v15, $0xF;
	s5 =	sxor.u32 @p3 $0x80000000, s5;
	s17 =	spop @p3 (v2sf)  }
0x1ab: {  	(xrf0) =	vmin.scan.msk.u32 @p1 $0xffff, v13;
	(v2sf) =	vpush @p6 v16, $0xF;
	p0 =	seq.f32 @p3 s17, s15;
	p4 =	slt.s32 @p3 s5, s13  }
0x1ac: {  	v62, _, _ =	vpop (xrf0);
	p5 =	sgt.f32 @p3 s17, s15;
	s14 =	smov.u32 s5;
	p4 =	por !p4, !p3  }
0x1ad: {  	v12 =	vshll.u32 v12, $0xF;
	v63 =	vbroadcast v62, $0xF;
	s14 =	smov.u32 @p4 s13;
	p0 =	por !p0, !p3  }
0x1ae: {  	v10 =	vor.u32 v10, v12;
	v14 =	vpsel p1, v18, v14;
	s14 =	smov.u32 @p0 s13;
	p0 =	por !p5, !p3  }
0x1af: {  	v10 =	vxor.u32 $0x80000000, v10;
	vm15 =	veq.f32 v61, v63;
	s13 =	simm.s32 $0x40000000;
	s5 =	smov.u32 @p0 s14  }
0x1b0: {  	v10 =	vnsel vm15, $0xC0000000, v10;
	s14 =	smov.u32 @p3 s17;
	s13 =	smov.u32 @p3 s5  }
0x1b1: {  	v12 =	vmov @p1 v14;
	(xrf0) =	vmin.scan.msk.u32 $0xffff, v10;
	v14, _, _ =	vpop @p1 (xrf0);
	s14 =	smax.f32 @p3 s15, s14;
	s15 =	simm.f32 $-1.000000000e+00;
	s5 =	spop @p2 (v2sf)  }
0x1b2: {  	v11 =	vpsel p1, v12, v11;
	(v2sf) =	vpush @p1 v14, $0xF;
	s15 =	smov.u32 @p3 s14;
	s5 =	sxor.u32 @p2 $0x80000000, s5;
	s17 =	spop @p2 (v2sf)  }
0x1b3: {  	(v2sf) =	vpush @p1 v11, $0xF;
	p0 =	seq.f32 @p2 s17, s15;
	p4 =	slt.s32 @p2 s5, s13  }
0x1b4: {  	p5 =	sgt.f32 @p2 s17, s15;
	s14 =	smov.u32 s5;
	p4 =	por !p4, !p2  }
0x1b5: {  	s14 =	smov.u32 @p4 s13;
	p0 =	por !p0, !p2  }
0x1b6: {  	s14 =	smov.u32 @p0 s13;
	p0 =	por !p5, !p2  }
0x1b7: {  	v10, _, _ =	vpop (xrf0);
	s13 =	simm.s32 $0x40000000;
	s5 =	smov.u32 @p0 s14  }
0x1b8: {  	(v2sf) =	vpush v10, $0xF;
	s14 =	smov.u32 @p2 s17;
	s13 =	smov.u32 @p2 s5  }
0x1b9: {  	s5 =	spop @p6 (v2sf);
	s14 =	smax.f32 @p2 s15, s14;
	s15 =	simm.f32 $-1.000000000e+00;
	(v2sf) =	vpush v62, $0xF  }
0x1ba: {  	s5 =	sxor.u32 @p6 $0x80000000, s5;
	s17 =	spop @p6 (v2sf);
	s15 =	smov.u32 @p2 s14  }
0x1bb: {  	p0 =	seq.f32 @p6 s17, s15;
	p3 =	slt.s32 @p6 s5, s13  }
0x1bc: {  	p4 =	sgt.f32 @p6 s17, s15;
	s14 =	smov.u32 s5;
	p3 =	por !p3, !p6  }
0x1bd: {  	s14 =	smov.u32 @p3 s13;
	p0 =	por !p0, !p6  }
0x1be: {  	s14 =	smov.u32 @p0 s13;
	p0 =	por !p4, !p6  }
0x1bf: {  	s13 =	simm.s32 $0x40000000;
	s5 =	smov.u32 @p0 s14  }
0x1c0: {  	s14 =	smov.u32 @p6 s17;
	s13 =	smov.u32 @p6 s5  }
0x1c1: {  	s14 =	smax.f32 @p6 s15, s14;
	s15 =	simm.f32 $-1.000000000e+00;
	s5 =	spop @p1 (v2sf)  }
0x1c2: {  	s15 =	smov.u32 @p6 s14;
	s5 =	sxor.u32 @p1 $0x80000000, s5;
	s17 =	spop @p1 (v2sf)  }
0x1c3: {  	p0 =	seq.f32 @p1 s17, s15;
	p2 =	slt.s32 @p1 s5, s13  }
0x1c4: {  	s14 =	smov.u32 s5;
	p2 =	por !p2, !p1  }
0x1c5: {  	p3 =	sgt.f32 @p1 s17, s15;
	s14 =	smov.u32 @p2 s13;
	p0 =	por !p0, !p1  }
0x1c6: {  	s14 =	smov.u32 @p0 s13  }
0x1c7: {  	p0 =	por !p3, !p1;
	s13 =	smov.u32 @p1 s17;
	s24 =	spop (v2sf)  }
0x1c8: {  	s5 =	smov.u32 @p0 s14;
	s13 =	smax.f32 @p1 s15, s13;
	s25 =	spop (v2sf)  }
0x1c9: {  	s12 =	smov.u32 @p1 s13;
	s9 =	smov.u32 @p1 s5;
	s5 =	sxor.u32 $0x80000000, s24  }
.Ltmp26:
0x1ca: {  	p0 =	seq.f32 s25, s12;
	p1 =	slt.s32 s5, s9;
	(pc) =	sbr.rel .LBB2_43-.Ltmp26, $4  }
0x1cb: {  	p2 =	sgt.f32 s25, s12;
	s13 =	smov.u32 s9;
	s12 =	smax.f32 s12, s25  }
0x1cc: {  	s13 =	smov.u32 @p1 s5;
	p1 =	sgt.f32 s12, $0.0e+00  }
0x1cd: {  	s12 =	simm.f32 $1.000000000e+00;
	s9 =	smov.u32 @p0 s13  }
0x1ce: {  	s9 =	smov.u32 @p2 s5;
	s12 =	simm.s32 @!p1 $0x0  }
.LBB2_21:
0x1cf: {  	s12 =	simm.f32 $0.0e+00  }
.LBB2_43:
0x1d0: {  	s13 =	sand.u32 $0x7FFF, s9;
	s5 =	sand.u32 $0x7C00, s9  }
0x1d1: {  	s14 =	sadd.s32 s6, s13;
	s13 =	ssub.s32 s7, s5  }
0x1d2: {  	p0 =	slt.s32 s13, $0x400  }
0x1d3: {  	s13 =	simm.s32 @!p0 $0x400  }
0x1d4: {  	s25 =	sadd.s32 $0x7F, s13  }
0x1d5: {  	v10 =	vmov s14;
	s14 =	sshra.s32 s25, $0x7  }
0x1d6: {  	p0 =	slt.s32 s14, $0x1  }
.Ltmp27:
0x1d7: {  	_ = 	snop;
	(pc) =	sbr.rel @p0 .LBB2_64-.Ltmp27, $2  }
0x1d8: {  	_ =	sdelay $0x2  }
0x1d9: {  	[tilespmem:v10+s19+$0x0] =	vst.idx.msk $0x1, v7  }
0x1da: {  	s15 =	sshll.u32 s14, $0x3  }
0x1db: {  	p1 =	sne.s32 s15, $0x1  }
.Ltmp28:
0x1dc: {  	_ = 	snop;
	(pc) =	sbr.rel @!p1 .LBB2_45-.Ltmp28, $3  }
0x1dd: {  	_ =	sdelay $0x1  }
0x1de: {  	s5 =	sadd.s32 s6, s5;
	s17 =	simm.s32 $0x0  }
0x1df: {  	v10 =	vmov s13;
	p0 =	por $0x0, $0x0;
	v12 =	vmov s5;
	v11 =	vor.u32 s17, v1;
	s15 =	sadd.s32 $0xFFFFFFFF, s15  }
0x1e0: {  	v13 =	vadd.s32 v12, v11  }
0x1e1: {  	vm0 =	vlt.s32 v13, $0x50FF  }
0x1e2: {  	p1 =	sne.s32 s15, $0x1;
	v13 =	vnsel vm0, $0x50FF, v13  }
.Ltmp29:
0x1e3: {  	_ = 	snop;
	(pc) =	sbr.rel @!p1 .LBB2_48-.Ltmp29, $3  }
0x1e4: {  	_ =	sdelay $0x1  }
0x1e5: {  	s5 =	simm.s32 $0x10  }
0x1e6: {  	s15 =	sadd.s32 $0xFFFFFFFF, s15;
	p0 =	por $0x1, $0x1;
	v14 =	vld.idx.msk [tilespmem:v13+s20+$0x0], $0xffff;
	v13 =	vor.u32 s5, v1  }
.LBB2_47:
0x1e7: {  	p1 =	sne.s32 s15, $0x1;
	v15 =	vadd.s32 v12, v13  }
0x1e8: {  	v16 =	vand.u32 v6, v11;
	vm0 =	vlt.s32 v15, $0x50FF  }
0x1e9: {  	v15 =	vnsel vm0, $0x50FF, v15  }
0x1ea: {  	vm0 =	vlt.s32 v11, v10  }
.Ltmp30:
0x1eb: {  	v14 =	vsel vm0, v14, v11;
	v11 =	vmov v13;
	(pc) =	sbr.rel @p1 .LBB2_47-.Ltmp30, $4  }
0x1ec: {  	v13 =	vadd.s32 v0, v14  }
0x1ed: {  	[tilespmem:v16+s10+$0x0] =	vst.idx.msk $0xffff, v13  }
0x1ee: {  	s5 =	sadd.s32 $0x10, s5;
	v14 =	vld.idx.msk [tilespmem:v15+s20+$0x0], $0xffff  }
0x1ef: {  	s15 =	sadd.s32 $0xFFFFFFFF, s15;
	v13 =	vor.u32 s5, v1  }
.LBB2_48:
0x1f0: {  	v12 =	vadd.s32 v12, v13  }
0x1f1: {  	v15 =	vand.u32 @p0 v6, v11;
	vm0 =	vlt.s32 v12, $0x50FF  }
0x1f2: {  	v12 =	vnsel vm0, $0x50FF, v12  }
0x1f3: {  	vm0 =	vlt.s32 @p0 v11, v10  }
0x1f4: {  	v11 =	vsel @p0 vm0, v14, v11  }
0x1f5: {  	v11 =	vadd.s32 @p0 v0, v11  }
0x1f6: {  	[tilespmem:v15+s10+$0x0] =	vst.idx.msk @p0 $0xffff, v11  }
0x1f7: {  	v11 =	vld.idx.msk [tilespmem:v12+s20+$0x0], $0xffff;
	_ =	sdelay $0x1  }
0x1f8: {  	v63 =	vand.u32 v6, v13  }
0x1f9: {  	p0 =	seq.s32 s14, $0x1  }
.Ltmp31:
0x1fa: {  	vm15 =	vlt.s32 v13, v10;
	(pc) =	sbr.rel @!p0 .LBB2_49-.Ltmp31, $4  }
0x1fb: {  	v10 =	vsel vm15, v11, v13  }
0x1fc: {  	v10 =	vadd.s32 v0, v10  }
0x1fd: {  	[tilespmem:v63+s10+$0x0] =	vst.idx.msk $0xffff, v10  }
0x1fe: {  	[tilespmem:s22], [sflag:$0x1] =	stream.indirect.gather [hbm4b:s3+s21], $0x10, s10, s21, $0xb8;
	[tilespmem:$0x1DDF0] =	vst v63  }
.LBB2_63:
0x1ff: {  	_ =	swait.ge [sflag:s23], $0x800  }
0x200: {  	[sflag:s23] =	ssyncset.done $0x0  }
0x201: {  	[sflag:s23] =	ssyncadd.s32 $0xFFFFF800  }
.LBB2_64:
0x202: {  	s5 =	sadd.s32 $0xF, s13  }
0x203: {  	s5 =	sshra.s32 s5, $0x4  }
0x204: {  	p0 =	slt.s32 s5, $0x1  }
.Ltmp32:
0x205: {  	_ = 	snop;
	(pc) =	sbr.rel @p0 .LBB2_70-.Ltmp32, $2  }
0x206: {  	_ =	sdelay $0x2  }
0x207: {  	s13 =	simm.s32 $0x0  }
0x208: {  	p1 =	sne.s32 s5, $0x1  }
.Ltmp33:
0x209: {  	_ = 	snop;
	(pc) =	sbr.rel @!p1 .LBB2_66-.Ltmp33, $4  }
0x20a: {  	v10 =	vor.u32 s13, v1  }
0x20b: {  	v11 =	vshll.u32 v10, $0x4  }
0x20c: {  	v18 =	vor.u32 $0x2, v11;
	v17 =	vor.u32 $0x3, v11;
	v12 =	vor.u32 $0x1, v11  }
0x20d: {  	s5 =	sadd.s32 $0xFFFFFFFF, s5;
	p0 =	por $0x0, $0x0;
	v13 =	vor.u32 $0x4, v11;
	v15 =	vor.u32 $0x5, v11;
	v14 =	vor.u32 $0x6, v11  }
0x20e: {  	_ =	sdelay $0x3  }
0x20f: {  	v16 =	vld.idx.msk [tilespmem:v18+s22+$0x0], $0xffff  }
0x210: {  	v17 =	vld.idx.msk [tilespmem:v17+s22+$0x0], $0xffff;
	_ =	sdelay $0x3  }
0x211: {  	v16 =	vmul.f32 $2.000000030e-01, v16  }
0x212: {  	v17 =	vmul.f32 $2.000000030e-01, v17  }
0x213: {  	v16 =	vmul.f32 $1.442695020e+00, v16  }
0x214: {  	v17 =	vmul.f32 $1.442695020e+00, v17  }
0x215: {  	(erf) = vpow2.f32 v16  }
0x216: {  	(erf) = vpow2.f32 v17;
	_ =	sdelay $0x1  }
0x217: {  	v16 =	vor.u32 $0x7, v11;
	v11 =	vld.idx.msk [tilespmem:v11+s22+$0x0], $0xffff  }
0x218: {  	v12 =	vld.idx.msk [tilespmem:v12+s22+$0x0], $0xffff  }
0x219: {  	v13 =	vld.idx.msk [tilespmem:v13+s22+$0x0], $0xffff  }
0x21a: {  	v15 =	vld.idx.msk [tilespmem:v15+s22+$0x0], $0xffff  }
0x21b: {  	v14 =	vld.idx.msk [tilespmem:v14+s22+$0x0], $0xffff  }
0x21c: {  	v16 =	vld.idx.msk [tilespmem:v16+s22+$0x0], $0xffff;
	v11 =	vmul.f32 $1.000000010e-01, v11  }
0x21d: {  	v12 =	vmul.f32 $1.000000010e-01, v12;
	v17 =	vpop (erf)  }
0x21e: {  	v11 =	vmul.f32 v13, v11;
	v13 =	vmul.f32 v17, v13;
	v17 =	vpop (erf)  }
0x21f: {  	v12 =	vmul.f32 v15, v12;
	v15 =	vmul.f32 v17, v15  }
0x220: {  	v11 =	vadd.f32 v14, v11  }
0x221: {  	v12 =	vadd.f32 v16, v12;
	v14 =	vmul.f32 $5.000000000e-01, v13;
	v17 =	vmul.f32 $5.000000000e-01, v15  }
0x222: {  	v16 =	vand.u32 v6, v10  }
0x223: {  	v11 =	vsub.f32 v11, v14;
	v12 =	vsub.f32 v12, v17;
	_ =	sdelay $0x1  }
0x224: {  	s13 =	sadd.s32 $0x10, s13;
	p1 =	sne.s32 s5, $0x1;
	v13 =	vadd.f32 v11, v13;
	v14 =	vadd.f32 v12, v15  }
.Ltmp34:
0x225: {  	v10 =	vor.u32 s13, v1;
	(pc) =	sbr.rel @!p1 .LBB2_69-.Ltmp34, $4  }
0x226: {  	[tilespmem:v16+s29+$0x0] =	vst.idx.msk $0xffff, v11;
	v15 =	vsub.f32 v13, v11;
	v11 =	vshll.u32 v10, $0x4;
	v19 =	vsub.f32 v14, v12  }
0x227: {  	[tilespmem:v16+s30+$0x0] =	vst.idx.msk $0xffff, v12;
	v18 =	vor.u32 $0x2, v11;
	v17 =	vor.u32 $0x3, v11;
	v12 =	vor.u32 $0x1, v11  }
0x228: {  	[tilespmem:v16+s31+$0x0] =	vst.idx.msk $0xffff, v13;
	v13 =	vor.u32 $0x4, v11;
	v20 =	vmax.f32 v15, $0.0e+00;
	v19 =	vmax.f32 v19, $0.0e+00  }
0x229: {  	s14 =	sadd.s32 $0xFFFFFFFF, s5;
	p0 =	por $0x1, $0x1;
	[tilespmem:v16+s0+$0x0] =	vst.idx.msk $0xffff, v14;
	v14 =	vor.u32 $0x6, v11;
	v15 =	vor.u32 $0x5, v11;
	v19 =	vmul.f32 v19, v20  }
.LBB2_68:
0x22a: {  	p1 =	sne.s32 s14, $0x1;
	s14 =	sadd.s32 $0xFFFFFFFF, s14;
	v20 =	vor.u32 $0x7, v11  }
0x22b: {  	[tilespmem:v16+s1+$0x0] =	vst.idx.msk $0xffff, v19  }
0x22c: {  	v16 =	vld.idx.msk [tilespmem:v18+s22+$0x0], $0xffff  }
0x22d: {  	v17 =	vld.idx.msk [tilespmem:v17+s22+$0x0], $0xffff;
	_ =	sdelay $0x4  }
0x22e: {  	v16 =	vmul.f32 $2.000000030e-01, v16  }
0x22f: {  	v17 =	vmul.f32 $2.000000030e-01, v17  }
0x230: {  	v16 =	vmul.f32 $1.442695020e+00, v16  }
0x231: {  	v17 =	vmul.f32 $1.442695020e+00, v17  }
0x232: {  	(erf) = vpow2.f32 v16  }
0x233: {  	v11 =	vld.idx.msk [tilespmem:v11+s22+$0x0], $0xffff;
	(erf) = vpow2.f32 v17  }
0x234: {  	v12 =	vld.idx.msk [tilespmem:v12+s22+$0x0], $0xffff  }
0x235: {  	v13 =	vld.idx.msk [tilespmem:v13+s22+$0x0], $0xffff  }
0x236: {  	v15 =	vld.idx.msk [tilespmem:v15+s22+$0x0], $0xffff  }
0x237: {  	v14 =	vld.idx.msk [tilespmem:v14+s22+$0x0], $0xffff  }
0x238: {  	v17 =	vld.idx.msk [tilespmem:v20+s22+$0x0], $0xffff  }
0x239: {  	v11 =	vmul.f32 $1.000000010e-01, v11  }
0x23a: {  	v12 =	vmul.f32 $1.000000010e-01, v12  }
0x23b: {  	v11 =	vmul.f32 v13, v11;
	v16 =	vpop (erf)  }
0x23c: {  	v12 =	vmul.f32 v15, v12;
	v13 =	vmul.f32 v16, v13;
	v16 =	vpop (erf)  }
0x23d: {  	v15 =	vmul.f32 v16, v15;
	v16 =	vand.u32 v6, v10  }
0x23e: {  	v10 =	vadd.f32 v14, v11;
	v11 =	vadd.f32 v17, v12;
	v12 =	vmul.f32 $5.000000000e-01, v13  }
0x23f: {  	v14 =	vmul.f32 $5.000000000e-01, v15  }
0x240: {  	v12 =	vsub.f32 v10, v12  }
0x241: {  	v14 =	vsub.f32 v11, v14  }
0x242: {  	v11 =	vadd.f32 v12, v13;
	[tilespmem:v16+s29+$0x0] =	vst.idx.msk $0xffff, v12  }
0x243: {  	s13 =	sadd.s32 $0x10, s13;
	v13 =	vadd.f32 v14, v15;
	[tilespmem:v16+s30+$0x0] =	vst.idx.msk $0xffff, v14  }
.Ltmp35:
0x244: {  	v10 =	vor.u32 s13, v1;
	[tilespmem:v16+s31+$0x0] =	vst.idx.msk $0xffff, v11;
	v12 =	vsub.f32 v11, v12;
	(pc) =	sbr.rel @p1 .LBB2_68-.Ltmp35, $4  }
0x245: {  	v11 =	vshll.u32 v10, $0x4;
	[tilespmem:v16+s0+$0x0] =	vst.idx.msk $0xffff, v13;
	v14 =	vsub.f32 v13, v14  }
0x246: {  	v18 =	vor.u32 $0x2, v11;
	v17 =	vor.u32 $0x3, v11;
	v19 =	vmax.f32 v12, $0.0e+00  }
0x247: {  	v13 =	vor.u32 $0x4, v11;
	v12 =	vor.u32 $0x1, v11;
	v20 =	vmax.f32 v14, $0.0e+00  }
0x248: {  	v15 =	vor.u32 $0x5, v11;
	v14 =	vor.u32 $0x6, v11;
	v19 =	vmul.f32 v20, v19  }
.LBB2_69:
0x249: {  	_ =	sdelay $0x3  }
0x24a: {  	[tilespmem:v16+s1+$0x0] =	vst.idx.msk @p0 $0xffff, v19  }
0x24b: {  	v16 =	vld.idx.msk [tilespmem:v18+s22+$0x0], $0xffff  }
0x24c: {  	v17 =	vld.idx.msk [tilespmem:v17+s22+$0x0], $0xffff;
	_ =	sdelay $0x3  }
0x24d: {  	v16 =	vmul.f32 $2.000000030e-01, v16  }
0x24e: {  	v17 =	vmul.f32 $2.000000030e-01, v17  }
0x24f: {  	v16 =	vmul.f32 $1.442695020e+00, v16  }
0x250: {  	v17 =	vmul.f32 $1.442695020e+00, v17  }
0x251: {  	(erf) = vpow2.f32 v16  }
0x252: {  	(erf) = vpow2.f32 v17  }
0x253: {  	v56 =	vor.u32 $0x7, v11;
	v11 =	vld.idx.msk [tilespmem:v11+s22+$0x0], $0xffff  }
0x254: {  	v12 =	vld.idx.msk [tilespmem:v12+s22+$0x0], $0xffff  }
0x255: {  	v13 =	vld.idx.msk [tilespmem:v13+s22+$0x0], $0xffff  }
0x256: {  	v15 =	vld.idx.msk [tilespmem:v15+s22+$0x0], $0xffff;
	_ =	sdelay $0x1  }
0x257: {  	v14 =	vld.idx.msk [tilespmem:v14+s22+$0x0], $0xffff  }
0x258: {  	v11 =	vmul.f32 $1.000000010e-01, v11;
	v12 =	vmul.f32 $1.000000010e-01, v12;
	v16 =	vld.idx.msk [tilespmem:v56+s22+$0x0], $0xffff  }
0x259: {  	v57 =	vpop (erf)  }
0x25a: {  	v11 =	vmul.f32 v13, v11;
	v12 =	vmul.f32 v15, v12;
	v58 =	vpop (erf)  }
0x25b: {  	v13 =	vmul.f32 v57, v13;
	v15 =	vmul.f32 v58, v15  }
0x25c: {  	v11 =	vadd.f32 v14, v11  }
0x25d: {  	v12 =	vadd.f32 v16, v12;
	v59 =	vmul.f32 $5.000000000e-01, v13;
	v60 =	vmul.f32 $5.000000000e-01, v15;
	_ =	sdelay $0x1  }
0x25e: {  	v10 =	vand.u32 v6, v10;
	v11 =	vsub.f32 v11, v59;
	v12 =	vsub.f32 v12, v60;
	_ =	sdelay $0x1  }
0x25f: {  	v13 =	vadd.f32 v11, v13;
	v61 =	vadd.f32 v12, v15;
	_ =	sdelay $0x1  }
0x260: {  	v62 =	vsub.f32 v13, v11;
	v16 =	vsub.f32 v61, v12  }
0x261: {  	[tilespmem:v10+s29+$0x0] =	vst.idx.msk $0xffff, v11  }
0x262: {  	[tilespmem:v10+s30+$0x0] =	vst.idx.msk $0xffff, v12;
	v11 =	vmax.f32 v62, $0.0e+00;
	v63 =	vmax.f32 v16, $0.0e+00  }
0x263: {  	[tilespmem:v10+s31+$0x0] =	vst.idx.msk $0xffff, v13;
	v11 =	vmul.f32 v63, v11  }
0x264: {  	[tilespmem:v10+s0+$0x0] =	vst.idx.msk $0xffff, v61  }
0x265: {  	[tilespmem:v10+s1+$0x0] =	vst.idx.msk $0xffff, v11  }
.LBB2_70:
0x266: {  	v10 =	vmov s9  }
0x267: {  	v10 =	vand.u32 $0x3FF, v10  }
0x268: {  	v11 =	vbroadcast v10, $0x0;
	_ =	sdelay $0x5  }
0x269: {  	v10 =	vld.idx.msk [tilespmem:v11+s29+$0x0], $0xffff  }
0x26a: {  	v12 =	vld.idx.msk [tilespmem:v11+s30+$0x0], $0xffff  }
0x26b: {  	s5 =	sadd.s32 $0x1F, s4;
	v13 =	vld.idx.msk [tilespmem:v11+s31+$0x0], $0xffff  }
0x26c: {  	s5 =	sshra.s32 s5, $0x5;
	v16 =	vld.idx.msk [tilespmem:v11+s0+$0x0], $0xffff  }
0x26d: {  	p0 =	slt.s32 s5, $0x1;
	v11 =	vld.idx.msk [tilespmem:v11+s1+$0x0], $0xffff  }
.Ltmp36:
0x26e: {  	_ = 	snop;
	(pc) =	sbr.rel @p0 .LBB2_71-.Ltmp36, $4  }
0x26f: {  	_ = 	snop  }
0x270: {  	v15 =	vbroadcast v10, $0x0  }
0x271: {  	v14 =	vbroadcast v12, $0x0;
	v13 =	vbroadcast v13, $0x0  }
0x272: {  	v12 =	vbroadcast v16, $0x0;
	v11 =	vbroadcast v11, $0x0  }
0x273: {  	s9 =	simm.s32 $0x1D310  }
0x274: {  	s14 =	simm.s32 $0x1D590;
	v17 =	vld [tilespmem:s9+$0x0]  }
0x275: {  	v19 =	vld [tilespmem:s14+$0x0]  }
0x276: {  	p2 =	sne.s32 s5, $0x1;
	v20 =	vld [tilespmem:s9+$0xFFFFFFF0]  }
.Ltmp37:
0x277: {  	_ = 	snop;
	(pc) =	sbr.rel @!p2 .LBB2_73-.Ltmp37, $4  }
0x278: {  	s13 =	simm.s32 $0x1D450  }
0x279: {  	v21 =	vld [tilespmem:s13+$0xFFFFFFF0]  }
0x27a: {  	v16 =	vimm.s32 $0x0;
	s15 =	simm.s32 $0x1D6D0;
	s5 =	sadd.s32 $0xFFFFFFFF, s5;
	v23 =	vld [tilespmem:s14+$0xFFFFFFF0]  }
0x27b: {  	p0 =	por $0x0, $0x0;
	p1 =	por $0x0, $0x0;
	s9 =	simm.s32 $0x1D810;
	v25 =	vld [tilespmem:s15+$0xFFFFFFF0];
	v18 =	vmax.f32 v17, v15;
	v20 =	vmax.f32 v20, v15;
	v19 =	vmin.f32 v19, v13  }
0x27c: {  	v17 =	vld [tilespmem:s13+$0x0]  }
0x27d: {  	v22 =	vld [tilespmem:s15+$0x0]  }
0x27e: {  	v26 =	vld [tilespmem:s9+$0x0]  }
0x27f: {  	v27 =	vld [tilespmem:s9+$0xFFFFFFF0];
	s25 =	simm.s32 $0x1D330  }
0x280: {  	s14 =	simm.s32 $0x1D5B0;
	v29 =	vld [tilespmem:s25+$0x0];
	v21 =	vmax.f32 v21, v14;
	v23 =	vmin.f32 v23, v13;
	v24 =	vmin.f32 v25, v12  }
0x281: {  	v30 =	vld [tilespmem:s14+$0x0];
	v20 =	vsub.f32 v23, v20;
	v21 =	vsub.f32 v24, v21  }
0x282: {  	v18 =	vsub.f32 v19, v18;
	p2 =	sne.s32 s5, $0x1;
	v31 =	vld [tilespmem:s25+$0xFFFFFFF0];
	v17 =	vmax.f32 v17, v14;
	v22 =	vmin.f32 v22, v12  }
.Ltmp38:
0x283: {  	v19 =	vmax.f32 v20, $0.0e+00;
	v17 =	vsub.f32 v22, v17;
	v20 =	vmax.f32 v21, $0.0e+00;
	(pc) =	sbr.rel @!p2 .LBB2_75-.Ltmp38, $4  }
0x284: {  	v24 =	vmul.f32 v20, v19  }
0x285: {  	s15 =	simm.s32 $0x1D6F0;
	v23 =	vld [tilespmem:s14+$0xFFFFFFF0];
	v19 =	vadd.f32 v27, v11;
	v20 =	vmax.f32 v18, $0.0e+00;
	v17 =	vmax.f32 v17, $0.0e+00  }
0x286: {  	s13 =	simm.s32 $0x1D470;
	v25 =	vld [tilespmem:s15+$0xFFFFFFF0];
	v28 =	vadd.f32 v26, v11;
	v18 =	vmax.f32 v29, v15;
	v17 =	vmul.f32 v17, v20  }
0x287: {  	s5 =	sadd.s32 $0xFFFFFFFF, s5;
	p0 =	por $0x1, $0x1;
	v21 =	vld [tilespmem:s13+$0xFFFFFFF0];
	v20 =	vmax.f32 v31, v15;
	v29 =	vsub.f32 v19, v24;
	v19 =	vmin.f32 v30, v13  }
0x288: {  	v22 =	vld [tilespmem:s13+$0x0]  }
0x289: {  	v27 =	vld [tilespmem:s15+$0x0];
	v26 =	vmax.f32 v29, $9.999999930e-09  }
0x28a: {  	(erf) = vrcp.f32 v26;
	v26 =	vsub.f32 v28, v17  }
0x28b: {  	s14 =	simm.s32 $0x1D830  }
0x28c: {  	s24 =	simm.s32 $0x1D350;
	v29 =	vld [tilespmem:s14+$0xFFFFFFF0];
	v23 =	vmin.f32 v23, v13;
	v26 =	vmax.f32 v26, $9.999999930e-09  }
0x28d: {  	v30 =	vld [tilespmem:s24+$0x0];
	v25 =	vmin.f32 v25, v12;
	v20 =	vsub.f32 v23, v20;
	(erf) = vrcp.f32 v26  }
0x28e: {  	v28 =	vld [tilespmem:s14+$0x0];
	v21 =	vmax.f32 v21, v14;
	v22 =	vmax.f32 v22, v14;
	v23 =	vmin.f32 v27, v12  }
0x28f: {  	s25 =	simm.s32 $0x1D5D0;
	v21 =	vsub.f32 v25, v21;
	v25 =	vld [tilespmem:s24+$0xFFFFFFF0];
	v22 =	vsub.f32 v23, v22  }
0x290: {  	v18 =	vsub.f32 v19, v18;
	s13 =	simm.s32 $0x1D490;
	p2 =	sne.s32 s5, $0x1;
	v31 =	vld [tilespmem:s25+$0x0]  }
.Ltmp39:
0x291: {  	v19 =	vmax.f32 v20, $0.0e+00;
	v20 =	vmax.f32 v21, $0.0e+00;
	v21 =	vld [tilespmem:s13+$0xFFFFFFF0];
	v22 =	vmax.f32 v22, $0.0e+00;
	(pc) =	sbr.rel @!p2 .LBB2_77-.Ltmp39, $4  }
0x292: {  	v27 =	vmul.f32 v20, v19;
	v19 =	vadd.f32 v29, v11  }
0x293: {  	v23 =	vld [tilespmem:s25+$0xFFFFFFF0];
	v28 =	vadd.f32 v28, v11;
	v20 =	vmax.f32 v18, $0.0e+00;
	v18 =	vmax.f32 v30, v15  }
0x294: {  	s15 =	simm.s32 $0x1D710;
	v26 =	vmul.f32 v22, v20;
	v29 =	vsub.f32 v19, v27;
	v20 =	vmax.f32 v25, v15;
	v22 =	vpop (erf)  }
0x295: {  	s5 =	sadd.s32 $0xFFFFFFFF, s5;
	p1 =	por $0x1, $0x1;
	v25 =	vld [tilespmem:s15+$0xFFFFFFF0];
	v19 =	vmin.f32 v31, v13;
	v30 =	vmul.f32 v22, v24;
	v22 =	vimm.s32 $0x0  }
.LBB2_78:
0x296: {  	p2 =	sne.s32 s5, $0x1;
	v21 =	vmax.f32 v21, v14;
	v24 =	vld [tilespmem:s13+$0x0];
	v29 =	vmax.f32 v29, $9.999999930e-09;
	v28 =	vsub.f32 v28, v26;
	v31 =	vpop (erf)  }
0x297: {  	s14 =	sadd.s32 $0x20, s14;
	v32 =	vld [tilespmem:s15+$0x0];
	(erf) = vrcp.f32 v29;
	vm0 =	vgt.f32 v30, $6.999999880e-01;
	v29 =	vmul.f32 v31, v17;
	v17 =	vmovc v26  }
0x298: {  	v23 =	vmin.f32 v23, v13;
	v26 =	vld [tilespmem:s14+$0x0];
	v28 =	vmax.f32 v28, $9.999999930e-09;
	v30 =	vsel vm0, $0x1, v2  }
0x299: {  	s24 =	sadd.s32 $0x20, s24;
	v31 =	vld [tilespmem:s14+$0xFFFFFFF0];
	(erf) = vrcp.f32 v28;
	vm0 =	vgt.s32 v22, v30;
	vm1 =	vgt.f32 v29, $6.999999880e-01  }
0x29a: {  	s25 =	sadd.s32 $0x20, s25;
	v29 =	vld [tilespmem:s24+$0x0];
	v25 =	vmin.f32 v25, v12;
	v22 =	vsel vm0, v22, v30;
	v28 =	vsel vm1, $0x1, v2  }
0x29b: {  	v20 =	vsub.f32 v23, v20;
	v30 =	vld [tilespmem:s25+$0x0];
	v23 =	vsub.f32 v25, v21;
	v22 =	vmax.u32 v22, v28  }
0x29c: {  	v18 =	vsub.f32 v19, v18;
	s13 =	sadd.s32 $0x20, s13;
	v24 =	vmax.f32 v24, v14;
	v33 =	vld [tilespmem:s24+$0xFFFFFFF0];
	v25 =	vmin.f32 v32, v12  }
.Ltmp40:
0x29d: {  	v19 =	vmax.f32 v20, $0.0e+00;
	v21 =	vld [tilespmem:s13+$0xFFFFFFF0];
	v20 =	vmax.f32 v23, $0.0e+00;
	v34 =	vsub.f32 v25, v24;
	(pc) =	sbr.rel @p2 .LBB2_78-.Ltmp40, $4  }
0x29e: {  	v32 =	vmul.f32 v20, v19;
	v19 =	vadd.f32 v31, v11  }
0x29f: {  	v28 =	vadd.f32 v26, v11;
	v20 =	vmax.f32 v18, $0.0e+00;
	v23 =	vld [tilespmem:s25+$0xFFFFFFF0];
	v25 =	vmax.f32 v34, $0.0e+00  }
0x2a0: {  	s15 =	sadd.s32 $0x20, s15;
	v18 =	vmax.f32 v29, v15;
	v29 =	vsub.f32 v19, v32;
	v26 =	vmul.f32 v25, v20;
	v24 =	vpop (erf)  }
0x2a1: {  	s5 =	sadd.s32 $0xFFFFFFFF, s5;
	v19 =	vmin.f32 v30, v13;
	v25 =	vld [tilespmem:s15+$0xFFFFFFF0];
	v20 =	vmax.f32 v33, v15;
	v30 =	vmul.f32 v24, v27;
	v27 =	vmovc v32  }
0x2a2: {  	v24 =	vmov v27  }
.LBB2_80:
0x2a3: {  	v27 =	vld [tilespmem:s13+$0x0]  }
0x2a4: {  	v31 =	vld [tilespmem:s15+$0x0];
	s5 =	sadd.s32 @p0 $0x20, s14  }
0x2a5: {  	s9 =	smov.u32 @p0 s5  }
0x2a6: {  	v21 =	vmax.f32 v21, v14;
	v32 =	vld [tilespmem:s9+$0xFFFFFFF0]  }
0x2a7: {  	v28 =	vsub.f32 @p0 v28, v26;
	v23 =	vmin.f32 v23, v13;
	v25 =	vmin.f32 v25, v12  }
0x2a8: {  	v29 =	vmax.f32 @p0 v29, $9.999999930e-09;
	v20 =	vsub.f32 v23, v20;
	v55 =	vld [tilespmem:s9+$0x0];
	v21 =	vsub.f32 v25, v21  }
0x2a9: {  	v18 =	vsub.f32 v19, v18;
	v56 =	vmax.f32 v27, v14;
	v57 =	vmin.f32 v31, v12  }
0x2aa: {  	v19 =	vmax.f32 v20, $0.0e+00;
	v58 =	vmax.f32 v21, $0.0e+00;
	v59 =	vsub.f32 v57, v56  }
0x2ab: {  	(erf) = vrcp.f32 @p0 v29;
	v19 =	vmul.f32 v58, v19;
	v60 =	vadd.f32 v32, v11  }
0x2ac: {  	v18 =	vmax.f32 v18, $0.0e+00;
	v25 =	vmax.f32 @p0 v28, $9.999999930e-09;
	v21 =	vmax.f32 v59, $0.0e+00  }
0x2ad: {  	v23 =	vadd.f32 v55, v11;
	v20 =	vsub.f32 v60, v19;
	v18 =	vmul.f32 v21, v18  }
0x2ae: {  	(erf) = vrcp.f32 @p0 v25  }
0x2af: {  	v20 =	vmax.f32 v20, $9.999999930e-09;
	v21 =	vsub.f32 v23, v18  }
0x2b0: {  	(erf) = vrcp.f32 v20  }
0x2b1: {  	v61 =	vmax.f32 v21, $9.999999930e-09  }
0x2b2: {  	(erf) = vrcp.f32 v61  }
0x2b3: {  	vm0 =	vgt.f32 @p1 v30, $6.999999880e-01;
	v20 =	vpop @p1 (erf)  }
0x2b4: {  	v21 =	vpop @p0 (erf);
	v17 =	vmul.f32 @p1 v20, v17;
	v20 =	vsel @p1 vm0, $0x1, v2  }
0x2b5: {  	v23 =	vmov @p0 v26;
	v21 =	vmul.f32 @p0 v21, v24  }
0x2b6: {  	v23 =	vpsel p0, v23, v0;
	vm0 =	vgt.s32 @p1 v22, v20;
	vm1 =	vgt.f32 @p1 v17, $6.999999880e-01  }
0x2b7: {  	v17 =	vsel @p1 vm0, v22, v20;
	v20 =	vpop @p0 (erf);
	v22 =	vsel @p1 vm1, $0x1, v2;
	v21 =	vpsel p0, v21, v0  }
0x2b8: {  	v17 =	vmax.u32 @p1 v17, v22;
	vm0 =	vgt.f32 @p0 v21, $6.999999880e-01;
	v20 =	vmul.f32 @p0 v20, v23  }
0x2b9: {  	v17 =	vpsel p1, v17, v16;
	v21 =	vsel @p0 vm0, $0x1, v2;
	v62 =	vpop (erf)  }
0x2ba: {  	vm0 =	vgt.s32 @p0 v17, v21;
	vm1 =	vgt.f32 @p0 v20, $6.999999880e-01;
	v19 =	vmul.f32 v62, v19  }
0x2bb: {  	v17 =	vsel @p0 vm0, v17, v21;
	v20 =	vsel @p0 vm1, $0x1, v2;
	v63 =	vpop (erf)  }
0x2bc: {  	v17 =	vmax.u32 @p0 v17, v20;
	vm14 =	vgt.f32 v19, $6.999999880e-01;
	v18 =	vmul.f32 v63, v18  }
.Ltmp41:
0x2bd: {  	v16 =	vpsel p0, v17, v16;
	v17 =	vsel vm14, $0x1, v2;
	(pc) =	sbr.rel .LBB2_81-.Ltmp41, $4  }
0x2be: {  	vm0 =	vgt.s32 v16, v17;
	vm15 =	vgt.f32 v18, $6.999999880e-01  }
0x2bf: {  	v16 =	vsel vm0, v16, v17;
	v17 =	vsel vm15, $0x1, v2  }
0x2c0: {  	v16 =	vmax.u32 v16, v17  }
0x2c1: {  	v16 =	vor.u32 $0x80000000, v16  }
.LBB2_49:
0x2c2: {  	s5 =	simm.s32 $0x17B80;
	s15 =	simm.s32 $0x18700;
	p0 =	slt.u32 s14, $0x3  }
0x2c3: {  	[tilespmem:s15], [sflag:$0x1] =	stream.indirect.gather [hbm4b:s3+s21], $0x10, s5, s21, $0xb8;
	[tilespmem:$0x1DDF0] =	vst v63  }
0x2c4: {  	p1 =	seq.s32 @!p0 s14, $0x3  }
0x2c5: {  	p3 =	por p0, p1  }
0x2c6: {  	p1 =	slt.u32 @!p3 s14, $0x5  }
0x2c7: {  	p1 =	por p3, p1  }
.Ltmp42:
0x2c8: {  	_ = 	snop;
	(pc) =	sbr.rel @p1 .LBB2_50-.Ltmp42, $4  }
0x2c9: {  	s5 =	simm.s32 @!p0 $0x80;
	s15 =	simm.s32 @!p0 $0x17C00;
	s17 =	simm.s32 @!p0 $0x18F00  }
0x2ca: {  	[tilespmem:s17], [sflag:$0x1] =	stream.indirect.gather @!p0 [hbm4b:s3+s5], $0x10, s15, s5, $0xb8;
	[tilespmem:$0x1DDF0] =	vst v63  }
0x2cb: {  	s5 =	simm.s32 @!p3 $0x80;
	s15 =	simm.s32 @!p3 $0x17C80;
	s17 =	simm.s32 @!p3 $0x19700  }
0x2cc: {  	[tilespmem:s17], [sflag:$0x1] =	stream.indirect.gather @!p3 [hbm4b:s3+s5], $0x10, s15, s5, $0xb8;
	[tilespmem:$0x1DDF0] =	vst v63  }
0x2cd: {  	s5 =	simm.s32 $0x17D00;
	s15 =	simm.s32 $0x19F00;
	p3 =	seq.s32 s14, $0x5  }
0x2ce: {  	[tilespmem:s15], [sflag:$0x1] =	stream.indirect.gather [hbm4b:s3+s21], $0x10, s5, s21, $0xb8;
	[tilespmem:$0x1DDF0] =	vst v63  }
0x2cf: {  	s5 =	simm.s32 @!p3 $0x80;
	p1 =	slt.u32 @!p3 s14, $0x7  }
0x2d0: {  	s15 =	simm.s32 @!p3 $0x17D80;
	s17 =	simm.s32 @!p3 $0x1A700;
	p4 =	por p1, p3  }
0x2d1: {  	[tilespmem:s17], [sflag:$0x1] =	stream.indirect.gather @!p3 [hbm4b:s3+s5], $0x10, s15, s5, $0xb8;
	[tilespmem:$0x1DDF0] =	vst v63  }
0x2d2: {  	s5 =	simm.s32 @!p4 $0x80;
	p2 =	seq.s32 @!p4 s14, $0x7  }
0x2d3: {  	s15 =	simm.s32 @!p4 $0x17E00;
	s17 =	simm.s32 @!p4 $0x1AF00;
	p5 =	por @!p3 p2, p1  }
0x2d4: {  	[tilespmem:s17], [sflag:$0x1] =	stream.indirect.gather @!p4 [hbm4b:s3+s5], $0x10, s15, s5, $0xb8;
	[tilespmem:$0x1DDF0] =	vst v63  }
0x2d5: {  	p6 =	por @!p3 !p2, p1;
	p5 =	por p5, p3  }
0x2d6: {  	s5 =	simm.s32 @!p5 $0x80;
	s14 =	simm.s32 @!p5 $0x17E80;
	s15 =	simm.s32 @!p5 $0x1B700  }
0x2d7: {  	[tilespmem:s15], [sflag:$0x1] =	stream.indirect.gather @!p5 [hbm4b:s3+s5], $0x10, s14, s5, $0xb8;
	[tilespmem:$0x1DDF0] =	vst v63  }
0x2d8: {  	p2 =	por @!p4 $0x1, $0x1;
	p6 =	por !p6, p3;
	p5 =	por @!p5 $0x1, $0x1  }
0x2d9: {  	p1 =	por !p1, p3;
	p4 =	por @!p4 $0x0, $0x0;
	p2 =	por @!p6 p5, p5  }
0x2da: {  	p4 =	por @!p6 p5, p5;
	p5 =	por @!p3 $0x0, $0x0;
	p6 =	por p2, p2  }
0x2db: {  	p6 =	por @!p1 p5, p5;
	p5 =	por @!p3 $0x1, $0x1  }
0x2dc: {  	p2 =	por @!p1 p5, p5;
	p5 =	por @!p3 $0x0, $0x0  }
0x2dd: {  	p4 =	por @!p1 p5, p5;
	p1 =	por $0x0, $0x0  }
0x2de: {  	p1 =	por @!p3 p6, p6  }
.Ltmp43:
0x2df: {  	p5 =	por $0x1, $0x1;
	s5 =	simm.s32 @!p1 $0x0;
	(pc) =	sbr.rel .LBB2_52-.Ltmp43, $4  }
0x2e0: {  	p5 =	por @!p3 p2, p2;
	p6 =	por $0x1, $0x1;
	s5 =	simm.s32 @p1 $0x1  }
0x2e1: {  	p6 =	por @!p3 p2, p2;
	[smem:$0x7F6] =	sst s5;
	s5 =	simm.s32 @!p5 $0x0  }
0x2e2: {  	p1 =	por $0x0, $0x0;
	s5 =	simm.s32 @p5 $0x1;
	p5 =	por $0x0, $0x0  }
0x2e3: {  	p1 =	por @!p3 p4, p4;
	[smem:$0x7F7] =	sst s5;
	p5 =	por @!p3 p2, p2  }
.LBB2_50:
0x2e4: {  	p2 =	por @!p0 $0x0, $0x0;
	p1 =	por $0x0, $0x0  }
0x2e5: {  	p1 =	por @!p0 p2, p2  }
0x2e6: {  	p2 =	por @!p3 $0x0, $0x0;
	p5 =	por p1, p1  }
0x2e7: {  	p5 =	por @!p3 p2, p2  }
0x2e8: {  	s5 =	simm.s32 @!p5 $0x0  }
0x2e9: {  	s5 =	simm.s32 @p5 $0x1;
	p5 =	por p1, p1  }
0x2ea: {  	p4 =	por @!p3 $0x1, $0x1;
	p5 =	por @!p3 p2, p2  }
0x2eb: {  	p6 =	por p1, p1;
	[smem:$0x7F6] =	sst s5;
	s5 =	simm.s32 @!p5 $0x0  }
0x2ec: {  	p6 =	por @!p3 p4, p4;
	s5 =	simm.s32 @p5 $0x1;
	p5 =	por p1, p1  }
0x2ed: {  	p1 =	por @!p3 p2, p2;
	[smem:$0x7F7] =	sst s5;
	p5 =	por @!p3 p2, p2  }
.LBB2_52:
0x2ee: {  	_ =	swait.ge [sflag:s23], $0x800  }
.Ltmp44:
0x2ef: {  	[sflag:s23] =	ssyncset.done $0x0;
	(pc) =	sbr.rel @p0 .LBB2_58-.Ltmp44, $4  }
0x2f0: {  	[sflag:s23] =	ssyncadd.s32 $0xFFFFF800  }
0x2f1: {  	_ =	swait.ge [sflag:s23], $0x800  }
0x2f2: {  	[sflag:s23] =	ssyncset.done $0x0  }
0x2f3: {  	[sflag:s23] =	ssyncadd.s32 $0xFFFFF800  }
.Ltmp45:
0x2f4: {  	(pc) =	sbr.rel @p6 .LBB2_59-.Ltmp45, $4  }
0x2f5: {  	_ = 	snop  }
0x2f6: {  	_ =	swait.ge [sflag:s23], $0x800  }
0x2f7: {  	[sflag:s23] =	ssyncset.done $0x0  }
0x2f8: {  	[sflag:s23] =	ssyncadd.s32 $0xFFFFF800  }
.LBB2_54:
0x2f9: {  	s5 =	sld [smem:$0x7F7];
	_ =	sdelay $0x2  }
0x2fa: {  	p0 =	seq.s32 s5, $0x1  }
.Ltmp46:
0x2fb: {  	_ = 	snop;
	(pc) =	sbr.rel @!p0 .LBB2_55-.Ltmp46, $1  }
0x2fc: {  	_ =	sdelay $0x3  }
.LBB2_60:
.Ltmp47:
0x2fd: {  	(pc) =	sbr.rel @p5 .LBB2_61-.Ltmp47, $4  }
0x2fe: {  	_ = 	snop  }
0x2ff: {  	_ =	swait.ge [sflag:s23], $0x800  }
0x300: {  	[sflag:s23] =	ssyncset.done $0x0  }
0x301: {  	[sflag:s23] =	ssyncadd.s32 $0xFFFFF800  }
.LBB2_56:
0x302: {  	s5 =	sld [smem:$0x7F6];
	_ =	sdelay $0x2  }
0x303: {  	p0 =	seq.s32 s5, $0x1  }
.Ltmp48:
0x304: {  	_ = 	snop;
	(pc) =	sbr.rel @!p0 .LBB2_57-.Ltmp48, $1  }
0x305: {  	_ =	sdelay $0x3  }
.LBB2_62:
.Ltmp49:
0x306: {  	(pc) =	sbr.rel @!p1 .LBB2_64-.Ltmp49, $4  }
.Ltmp50:
0x307: {  	(pc) =	sbr.rel @p1 .LBB2_63-.Ltmp50, $4  }
0x308: {  	_ =	swait.ge [sflag:s23], $0x800  }
0x309: {  	[sflag:s23] =	ssyncset.done $0x0  }
0x30a: {  	[sflag:s23] =	ssyncadd.s32 $0xFFFFF800  }
0x30b: {  	_ = 	snop  }
.LBB2_58:
.Ltmp51:
0x30c: {  	(pc) =	sbr.rel @!p6 .LBB2_54-.Ltmp51, $1  }
0x30d: {  	_ =	sdelay $0x3  }
.LBB2_59:
0x30e: {  	_ =	swait.ge [sflag:s23], $0x800  }
0x30f: {  	s5 =	sld [smem:$0x7F7];
	_ =	sdelay $0x2  }
0x310: {  	p0 =	seq.s32 s5, $0x1  }
.Ltmp52:
0x311: {  	_ = 	snop;
	(pc) =	sbr.rel @p0 .LBB2_60-.Ltmp52, $3  }
0x312: {  	_ =	sdelay $0x1  }
0x313: {  	[sflag:s23] =	ssyncset.done $0x0  }
0x314: {  	[sflag:s23] =	ssyncadd.s32 $0xFFFFF800  }
.LBB2_55:
.Ltmp53:
0x315: {  	(pc) =	sbr.rel @!p5 .LBB2_56-.Ltmp53, $1  }
0x316: {  	_ =	sdelay $0x3  }
.LBB2_61:
0x317: {  	_ =	swait.ge [sflag:s23], $0x800  }
0x318: {  	s5 =	sld [smem:$0x7F6];
	_ =	sdelay $0x2  }
0x319: {  	p0 =	seq.s32 s5, $0x1  }
.Ltmp54:
0x31a: {  	_ = 	snop;
	(pc) =	sbr.rel @p0 .LBB2_62-.Ltmp54, $3  }
0x31b: {  	_ =	sdelay $0x1  }
0x31c: {  	[sflag:s23] =	ssyncset.done $0x0  }
0x31d: {  	[sflag:s23] =	ssyncadd.s32 $0xFFFFF800  }
.LBB2_57:
.Ltmp55:
0x31e: {  	(pc) =	sbr.rel @!p1 .LBB2_64-.Ltmp55, $4  }
.Ltmp56:
0x31f: {  	(pc) =	sbr.rel @p1 .LBB2_63-.Ltmp56, $4  }
0x320: {  	_ = 	snop  }
0x321: {  	_ = 	snop  }
0x322: {  	_ = 	snop  }
0x323: {  	_ = 	snop  }
.LBB2_23:
0x324: {  	p0 =	por $0x0, $0x0  }
0x325: {  	s5 =	simm.s32 @!p0 $0x0  }
0x326: {  	s5 =	simm.s32 @p0 $0x1;
	p0 =	por $0x0, $0x0  }
0x327: {  	[smem:$0x7F9] =	sst s5;
	s5 =	simm.s32 @!p0 $0x0  }
0x328: {  	s5 =	simm.s32 @p0 $0x1;
	p0 =	por $0x0, $0x0  }
.Ltmp57:
0x329: {  	[smem:$0x7FA] =	sst s5;
	s5 =	simm.s32 @!p0 $0x0;
	(pc) =	sbr.rel .LBB2_42-.Ltmp57, $4  }
0x32a: {  	s5 =	simm.s32 @p0 $0x1;
	p0 =	por $0x0, $0x0  }
0x32b: {  	[smem:$0x7FB] =	sst s5;
	s5 =	simm.s32 @!p0 $0x0  }
0x32c: {  	s5 =	simm.s32 @p0 $0x1  }
0x32d: {  	s15 =	simm.f32 $-1.000000000e+00;
	v30 =	vmov v34;
	s17 =	simm.s32 $0x40000000;
	v12 =	vmov v34;
	v10 =	vmov v11;
	[smem:$0x7FC] =	sst s5  }
.LBB2_45:
.Ltmp58:
0x32e: {  	(pc) =	sbr.rel .LBB2_48-.Ltmp58, $2  }
0x32f: {  	_ =	sdelay $0x2  }
0x330: {  	v13 =	vmov v11  }
.LBB2_66:
.Ltmp59:
0x331: {  	(pc) =	sbr.rel .LBB2_69-.Ltmp59, $2  }
0x332: {  	_ =	sdelay $0x2  }
0x333: {  	_ = 	snop  }
.LBB2_73:
.Ltmp60:
0x334: {  	(pc) =	sbr.rel .LBB2_80-.Ltmp60, $2  }
0x335: {  	_ =	sdelay $0x2  }
0x336: {  	s14 =	simm.s32 $0x1D810;
	v22 =	vimm.s32 $0x0  }
.LBB2_25:
0x337: {  	p0 =	por $0x0, $0x0  }
0x338: {  	s5 =	simm.s32 @!p0 $0x0  }
0x339: {  	s5 =	simm.s32 @p0 $0x1;
	p0 =	por $0x0, $0x0  }
0x33a: {  	[smem:$0x7F9] =	sst s5;
	s5 =	simm.s32 @!p0 $0x0  }
0x33b: {  	s5 =	simm.s32 @p0 $0x1;
	p0 =	por $0x0, $0x0  }
.Ltmp61:
0x33c: {  	[smem:$0x7FA] =	sst s5;
	s5 =	simm.s32 @!p0 $0x0;
	(pc) =	sbr.rel .LBB2_42-.Ltmp61, $4  }
0x33d: {  	s5 =	simm.s32 @p0 $0x1;
	p0 =	por $0x0, $0x0  }
0x33e: {  	[smem:$0x7FB] =	sst s5;
	s5 =	simm.s32 @!p0 $0x0  }
0x33f: {  	s5 =	simm.s32 @p0 $0x1  }
0x340: {  	v27 =	vmovc v11;
	s15 =	simm.f32 $-1.000000000e+00;
	v30 =	vmov v17;
	s17 =	simm.s32 $0x40000000;
	v12 =	vmov v17;
	v10 =	vmov v35;
	[smem:$0x7FC] =	sst s5  }
.LBB2_75:
.Ltmp62:
0x341: {  	(pc) =	sbr.rel .LBB2_80-.Ltmp62, $2  }
0x342: {  	_ =	sdelay $0x2  }
0x343: {  	v26 =	vmov v17;
	s14 =	simm.s32 $0x1D810;
	v22 =	vimm.s32 $0x0  }
.LBB2_27:
0x344: {  	p0 =	por $0x0, $0x0  }
0x345: {  	s5 =	simm.s32 @!p0 $0x0  }
0x346: {  	s5 =	simm.s32 @p0 $0x1;
	p0 =	por $0x1, $0x1  }
0x347: {  	[smem:$0x7F9] =	sst s5;
	s5 =	simm.s32 @!p0 $0x0  }
0x348: {  	s5 =	simm.s32 @p0 $0x1;
	p0 =	por $0x0, $0x0  }
.Ltmp63:
0x349: {  	[smem:$0x7FA] =	sst s5;
	s5 =	simm.s32 @!p0 $0x0;
	(pc) =	sbr.rel .LBB2_42-.Ltmp63, $4  }
0x34a: {  	s5 =	simm.s32 @p0 $0x1;
	p0 =	por $0x0, $0x0  }
0x34b: {  	[smem:$0x7FB] =	sst s5;
	s5 =	simm.s32 @!p0 $0x0  }
0x34c: {  	v27 =	vmov v35;
	v13 =	vmov v16;
	v30 =	vmov v15;
	s5 =	simm.s32 @p0 $0x1  }
0x34d: {  	s15 =	simm.f32 $-1.000000000e+00;
	s17 =	simm.s32 $0x40000000;
	v34 =	vmovc v17;
	v35 =	vmovc v11;
	v10 =	vmov v14;
	v20 =	vmov v12;
	v12 =	vmov v15;
	[smem:$0x7FC] =	sst s5  }
.LBB2_77:
.Ltmp64:
0x34e: {  	(pc) =	sbr.rel .LBB2_80-.Ltmp64, $2  }
0x34f: {  	_ =	sdelay $0x2  }
0x350: {  	v22 =	vimm.s32 $0x0;
	v24 =	vmov v27  }
.LBB2_29:
0x351: {  	p0 =	por $0x0, $0x0  }
0x352: {  	s5 =	simm.s32 @!p0 $0x0  }
0x353: {  	s5 =	simm.s32 @p0 $0x1;
	p0 =	por $0x1, $0x1  }
0x354: {  	[smem:$0x7F9] =	sst s5;
	s5 =	simm.s32 @!p0 $0x0  }
0x355: {  	s5 =	simm.s32 @p0 $0x1;
	p0 =	por $0x0, $0x0  }
.Ltmp65:
0x356: {  	[smem:$0x7FA] =	sst s5;
	s5 =	simm.s32 @!p0 $0x0;
	(pc) =	sbr.rel .LBB2_42-.Ltmp65, $4  }
0x357: {  	s5 =	simm.s32 @p0 $0x1;
	p0 =	por $0x0, $0x0  }
0x358: {  	[smem:$0x7FB] =	sst s5;
	s5 =	simm.s32 @!p0 $0x0  }
0x359: {  	s5 =	simm.s32 @p0 $0x1  }
0x35a: {  	v21 =	vmovc v33;
	v27 =	vmov v14;
	s15 =	simm.f32 $-1.000000000e+00;
	v30 =	vmov v12;
	s17 =	simm.s32 $0x40000000;
	v34 =	vmov v15;
	[smem:$0x7FC] =	sst s5  }
.LBB2_31:
0x35b: {  	p0 =	por $0x0, $0x0  }
0x35c: {  	s5 =	simm.s32 @!p0 $0x0  }
0x35d: {  	s5 =	simm.s32 @p0 $0x1;
	p0 =	por $0x1, $0x1  }
0x35e: {  	[smem:$0x7F9] =	sst s5;
	s5 =	simm.s32 @!p0 $0x0  }
0x35f: {  	s5 =	simm.s32 @p0 $0x1;
	p0 =	por $0x0, $0x0  }
.Ltmp66:
0x360: {  	[smem:$0x7FA] =	sst s5;
	s5 =	simm.s32 @!p0 $0x0;
	(pc) =	sbr.rel .LBB2_42-.Ltmp66, $4  }
0x361: {  	s5 =	simm.s32 @p0 $0x1;
	p0 =	por $0x0, $0x0  }
0x362: {  	[smem:$0x7FB] =	sst s5;
	s5 =	simm.s32 @!p0 $0x0  }
0x363: {  	v16 =	vmovc v13;
	v21 =	vmovc v11;
	v27 =	vmov v10;
	v34 =	vmov v12;
	v13 =	vmov v25;
	s5 =	simm.s32 @p0 $0x1  }
0x364: {  	s15 =	simm.f32 $-1.000000000e+00;
	v30 =	vmovc v24;
	s17 =	simm.s32 $0x40000000;
	v12 =	vmovc v24;
	v35 =	vmov v14;
	v10 =	vmov v36;
	v20 =	vmov v17;
	[smem:$0x7FC] =	sst s5  }
.LBB2_33:
0x365: {  	p0 =	por $0x0, $0x0  }
0x366: {  	s5 =	simm.s32 @!p0 $0x0  }
0x367: {  	s5 =	simm.s32 @p0 $0x1;
	p0 =	por $0x1, $0x1  }
0x368: {  	[smem:$0x7F9] =	sst s5;
	s5 =	simm.s32 @!p0 $0x0  }
0x369: {  	s5 =	simm.s32 @p0 $0x1;
	p0 =	por $0x0, $0x0  }
.Ltmp67:
0x36a: {  	[smem:$0x7FA] =	sst s5;
	s5 =	simm.s32 @!p0 $0x0;
	(pc) =	sbr.rel .LBB2_42-.Ltmp67, $4  }
0x36b: {  	s5 =	simm.s32 @p0 $0x1;
	p0 =	por $0x1, $0x1  }
0x36c: {  	[smem:$0x7FB] =	sst s5;
	s5 =	simm.s32 @!p0 $0x0  }
0x36d: {  	v35 =	vmovc v10;
	v13 =	vmovc v15;
	v21 =	vmov v17;
	v10 =	vmov v18;
	v16 =	vmov v25;
	s5 =	simm.s32 @p0 $0x1  }
0x36e: {  	v27 =	vmovc v36;
	s15 =	simm.f32 $-1.000000000e+00;
	v30 =	vmovc v31;
	s17 =	simm.s32 $0x40000000;
	v34 =	vmov v24;
	v33 =	vmov v11;
	v12 =	vmov v31;
	[smem:$0x7FC] =	sst s5  }
.LBB2_35:
0x36f: {  	p0 =	por $0x0, $0x0  }
0x370: {  	s5 =	simm.s32 @!p0 $0x0  }
0x371: {  	s5 =	simm.s32 @p0 $0x1;
	p0 =	por $0x1, $0x1  }
.Ltmp68:
0x372: {  	[smem:$0x7F9] =	sst s5;
	s5 =	simm.s32 @!p0 $0x0;
	(pc) =	sbr.rel .LBB2_42-.Ltmp68, $4  }
0x373: {  	s5 =	simm.s32 @p0 $0x1;
	p0 =	por $0x1, $0x1  }
0x374: {  	v13 =	vmov v25;
	[smem:$0x7FA] =	sst s5;
	s5 =	simm.s32 @!p0 $0x0  }
0x375: {  	v27 =	vmovc v18;
	v16 =	vmovc v15;
	v22 =	vmov v26;
	v21 =	vmov v14;
	v30 =	vmov v12;
	s5 =	simm.s32 @p0 $0x1  }
0x376: {  	s15 =	simm.f32 $-1.000000000e+00;
	s17 =	simm.s32 $0x40000000;
	v34 =	vmovc v31;
	v33 =	vmovc v17;
	v35 =	vmov v36;
	v10 =	vmov v37;
	v19 =	vmov v24;
	[smem:$0x7FC] =	sst s5  }
.LBB2_37:
.Ltmp69:
0x377: {  	(pc) =	sbr.rel .LBB2_42-.Ltmp69, $4  }
0x378: {  	p0 =	por $0x1, $0x1  }
0x379: {  	v34 =	vmov v12;
	v16 =	vmov v25;
	s5 =	simm.s32 @!p0 $0x0  }
0x37a: {  	v22 =	vmovc v36;
	v13 =	vmovc v29;
	v21 =	vmov v28;
	v27 =	vmov v37;
	v30 =	vmov v35;
	s5 =	simm.s32 @p0 $0x1;
	_ =	sdelay $0x1  }
0x37b: {  	s15 =	simm.f32 $-1.000000000e+00;
	s17 =	simm.s32 $0x40000000;
	v33 =	vmovc v14;
	v12 =	vmovc v35;
	v35 =	vmov v18;
	v19 =	vmov v32;
	[smem:$0x7FA] =	sst s5;
	v23 =	vmov v31  }
.LBB2_39:
.Ltmp70:
0x37c: {  	(pc) =	sbr.rel .LBB2_42-.Ltmp70, $4  }
0x37d: {  	p0 =	por $0x1, $0x1  }
0x37e: {  	s5 =	simm.s32 @!p0 $0x0  }
0x37f: {  	v27 =	vmov v10;
	v16 =	vmov v29;
	s15 =	simm.f32 $-1.000000000e+00;
	s5 =	simm.s32 @p0 $0x1  }
0x380: {  	v34 =	vmovc v35;
	v33 =	vmovc v28;
	v12 =	vmov v30;
	v35 =	vmov v37;
	v10 =	vmov v38;
	p2 =	por $0x1, $0x1;
	p5 =	por $0x1, $0x1;
	[smem:$0x7FA] =	sst s5  }
.LBB2_18:
.Ltmp71:
0x381: {  	(pc) =	sbr.rel .LBB2_83-.Ltmp71, $2  }
0x382: {  	_ =	sdelay $0x2  }
0x383: {  	s4 =	smov.u32 @p0 s4  }
.LBB2_85:
0x384: {  	_ =	sfence.sel $0x180000  }
0x385: {  	[bflag:$0x0] =	sbarrier.arrive $0xFFFF  }
0x386: {  	_ =	strace $0x90000047  }
0x387: {  	s0 =	stileid.u32;
	[bflag:$0x2] =	sbarrier.arrive $0xFFFF  }
0x388: {  	p0 =	sne.s32 s0, $0x0;
	s0 =	rddreg [dreg:$0x2]  }
0x389: {  	s0 =	sadd.s32 @!p0 $0x100000, s0  }
0x38a: {  	[sflag:s0] =	ssyncadd.tile.s32 @!p0 $0x1;
	_ =	shalt  }
.Lfunc_end2:
_tile_overlayer_lowered:
.L_overlay_start_2:
0x38b: {  	(tag) =	ssettag $0x2  }
0x38c: {  	s0 =	rddreg [dreg:$0x0];
	s2 =	stileid.u32  }
0x38d: {  	s1 =	rddreg [dreg:$0x1];
	p0 =	sne.s32 s2, $0x0  }
0x38e: {  	s3 =	rddreg [dreg:$0x2];
	[bflag:$0x3] =	sbarrier.arrive $0xFFFF;
	s2 =	simm.s32 @!p0 $0x1C02  }
0x38f: {  	[timem:s3], [sflag:s2] =	dma.local @!p0 [hbm:s0], s1  }
0x390: {  	s0 =	simm.s32 @!p0 $0x2  }
0x391: {  	_ =	swait.ge @!p0 [sflag:s0], s1  }
0x392: {  	s1 =	ssub.s32 @!p0 $0x0, s1;
	[sflag:s0] =	ssyncset.done @!p0 $0x0  }
0x393: {  	[sflag:s0] =	ssyncadd.s32 @!p0 s1  }
0x394: {  	[bflag:$0x3] =	sbarrier.arrive $0xFFFF  }
0x395: {  	_ =	shalt  }

</sc_bundles>
